<compile_context>
chip_gen: v7x
topology: tpu7x:2x2x1
jax: 0.10.2.dev20260603
libtpu: 0.0.44.dev20260713+nightly
codegen_flags: <defaults>
</compile_context>

<pallas_src>
import functools

import jax
import jax.numpy as jnp
from jax import lax
from jax.experimental import pallas as pl
from jax.experimental.pallas import tpu as pltpu
from jax.experimental.pallas import tpu_sc as plsc

VOCAB = 100000
EMBED_DIM = 768
BATCH = 4
SEQ_LEN = 2048
NUM_TOKENS = BATCH * SEQ_LEN

_info = plsc.get_sparse_core_info()
NC, NS = _info.num_cores, _info.num_subcores
NW = NC * NS
ROWS_PER_WORKER = NUM_TOKENS // NW
W_PER_BATCH = SEQ_LEN // ROWS_PER_WORKER
CHUNK = 32
N_CHUNKS = ROWS_PER_WORKER // CHUNK
NBUF = 5


def _make_kernel():
    mesh = plsc.VectorSubcoreMesh(core_axis_name="c", subcore_axis_name="s")

    @functools.partial(
        pl.kernel,
        mesh=mesh,
        out_type=jax.ShapeDtypeStruct((BATCH, SEQ_LEN, EMBED_DIM), jnp.float32),
        scratch_types=[
            pltpu.VMEM((ROWS_PER_WORKER,), jnp.int32),
            pltpu.VMEM((NBUF, CHUNK, EMBED_DIM), jnp.float32),
        ]
        + [pltpu.SemaphoreType.DMA] * (2 * NBUF),
    )
    def emb(ids_hbm, table_hbm, out_hbm, idx_v, rows_v, *sems):
        gsems = sems[:NBUF]
        wsems = sems[NBUF:]
        wid = lax.axis_index("s") * NC + lax.axis_index("c")
        b = wid // W_PER_BATCH
        s0 = (wid % W_PER_BATCH) * ROWS_PER_WORKER
        head = ROWS_PER_WORKER // 2
        assert (NBUF - 1) * CHUNK <= head
        pltpu.sync_copy(ids_hbm.at[b, pl.ds(s0, head)],
                        idx_v.at[pl.ds(0, head)])

        def gather(g):
            return pltpu.async_copy(
                table_hbm.at[idx_v.at[pl.ds(g * CHUNK, CHUNK)]],
                rows_v.at[g % NBUF], gsems[g % NBUF])

        gathers = [None] * N_CHUNKS
        writes = [None] * N_CHUNKS
        for g in range(NBUF - 1):
            gathers[g] = gather(g)
        pltpu.sync_copy(ids_hbm.at[b, pl.ds(s0 + head, ROWS_PER_WORKER - head)],
                        idx_v.at[pl.ds(head, ROWS_PER_WORKER - head)])
        for g in range(N_CHUNKS):
            nxt = g + NBUF - 1
            if nxt < N_CHUNKS:
                if writes[nxt - NBUF] is not None:
                    writes[nxt - NBUF].wait()
                gathers[nxt] = gather(nxt)
            gathers[g].wait()
            writes[g] = pltpu.async_copy(
                rows_v.at[g % NBUF],
                out_hbm.at[b, pl.ds(s0 + g * CHUNK, CHUNK)],
                wsems[g % NBUF])
        for g in range(max(0, N_CHUNKS - NBUF), N_CHUNKS):
            writes[g].wait()

    return emb


_emb = _make_kernel()


def kernel(token_ids, table):
    return _emb(token_ids.astype(jnp.int32), table)

# --- scband reference (transcript-rebuilt; emitter-appended) ---
"""Pipeline reference for scband-hugging-face-embedder-41738492182853 (READ-ONLY COPY).

The authoritative reference and input builder live on the scoring server;
editing this copy changes nothing except your own understanding.
"""

import jax, jax.numpy as jnp
import numpy as np

VOCAB = 100000
EMBED_DIM = 768
BATCH = 4
SEQ_LEN = 2048


def setup_inputs(seed: int = 0) -> dict:
    key = jax.random.key(seed)
    k1, k2 = jax.random.split(key)
    token_ids = jax.random.randint(k1, (BATCH, SEQ_LEN), 0, VOCAB, dtype=jnp.int64 if jax.config.jax_enable_x64 else jnp.int32)
    table = jax.random.normal(k2, (VOCAB, EMBED_DIM), dtype=jnp.float32) * 0.02
    return {"token_ids": token_ids, "table": table}


def reference(token_ids, table):
    # HuggingFaceEmbedder.forward: self.embeddings(token_ids)
    # nn.Embedding lookup == gather rows of the table
    return jnp.take(table, token_ids, axis=0)

if __name__ == "__main__":
    import jax
    _d = setup_inputs()
    print(jax.jit(kernel)(*tuple(_d.values())))

</pallas_src>

<mosaic_0001>
#map = affine_map<(d0, d1) -> (0, 0)>
#map1 = affine_map<(d0, d1) -> (0, 0, 0)>
module attributes {stable_mosaic.version = 14 : i64} {
  func.func @emb(%arg0: i32, %arg1: i32, %arg2: memref<4x2048xi32, #tpu.memory_space<hbm>>, %arg3: memref<100000x768xf32, #tpu.memory_space<hbm>>, %arg4: memref<4x2048x768xf32, #tpu.memory_space<hbm>>, %arg5: memref<256xi32, #tpu.memory_space<vmem>>, %arg6: memref<5x32x768xf32, #tpu.memory_space<vmem>>, %arg7: memref<!tpu.dma_semaphore, #tpu.memory_space<semaphore_mem>>, %arg8: memref<!tpu.dma_semaphore, #tpu.memory_space<semaphore_mem>>, %arg9: memref<!tpu.dma_semaphore, #tpu.memory_space<semaphore_mem>>, %arg10: memref<!tpu.dma_semaphore, #tpu.memory_space<semaphore_mem>>, %arg11: memref<!tpu.dma_semaphore, #tpu.memory_space<semaphore_mem>>, %arg12: memref<!tpu.dma_semaphore, #tpu.memory_space<semaphore_mem>>, %arg13: memref<!tpu.dma_semaphore, #tpu.memory_space<semaphore_mem>>, %arg14: memref<!tpu.dma_semaphore, #tpu.memory_space<semaphore_mem>>, %arg15: memref<!tpu.dma_semaphore, #tpu.memory_space<semaphore_mem>>, %arg16: memref<!tpu.dma_semaphore, #tpu.memory_space<semaphore_mem>>) attributes {dimension_semantics = [#tpu.dimension_semantics<core_parallel>, #tpu.dimension_semantics<subcore_parallel>], iteration_bounds = array<i64: 2, 16>, scalar_prefetch = 0 : i64, scratch_operands = 12 : i64, tpu.core_type = #tpu.core_type<sc_vector_subcore>, window_params = [{transform_indices = #map}, {transform_indices = #map}, {transform_indices = #map1}]} {
    %mul3A = arith.constant 2 : i32
    %mul3A_0 = arith.muli %arg1, %mul3A : i32
    %add3A = arith.addi %mul3A_0, %arg0 : i32
    %jit3A = arith.constant 8 : i32
    %div3A = arith.divsi %add3A, %jit3A : i32
    %sign3A = arith.constant 0 : i32
    %sign3A_1 = arith.cmpi sgt, %add3A, %sign3A : i32
    %sign3A_2 = arith.extui %sign3A_1 : i1 to i32
    %sign3A_3 = arith.constant 0 : i32
    %sign3A_4 = arith.cmpi slt, %add3A, %sign3A_3 : i32
    %sign3A_5 = arith.extui %sign3A_4 : i1 to i32
    %sign3A_6 = arith.subi %sign3A_2, %sign3A_5 : i32
    %sign3A_7 = arith.constant 0 : i32
    %sign3A_8 = arith.cmpi sgt, %jit3A, %sign3A_7 : i32
    %sign3A_9 = arith.extui %sign3A_8 : i1 to i32
    %sign3A_10 = arith.constant 0 : i32
    %sign3A_11 = arith.cmpi slt, %jit3A, %sign3A_10 : i32
    %sign3A_12 = arith.extui %sign3A_11 : i1 to i32
    %sign3A_13 = arith.subi %sign3A_9, %sign3A_12 : i32
    %ne3A = arith.cmpi ne, %sign3A_6, %sign3A_13 : i32
    %rem3A = arith.remsi %add3A, %jit3A : i32
    %ne3A_14 = arith.constant 0 : i32
    %ne3A_15 = arith.cmpi ne, %rem3A, %ne3A_14 : i32
    %and3A = arith.andi %ne3A, %ne3A_15 : i1
    %sub3A = arith.constant 1 : i32
    %sub3A_16 = arith.subi %div3A, %sub3A : i32
    %select_n3A = arith.select %and3A, %sub3A_16, %div3A : i32
    %jit3A_17 = arith.constant 8 : i32
    %eq3A = arith.constant 0 : i32
    %eq3A_18 = arith.cmpi eq, %jit3A_17, %eq3A : i32
    %jit3A_19 = arith.constant 1 : i32
    %select_n3A_20 = arith.select %eq3A_18, %jit3A_19, %jit3A_17 : i32
    %rem3A_21 = arith.remsi %add3A, %select_n3A_20 : i32
    %ne3A_22 = arith.constant 0 : i32
    %ne3A_23 = arith.cmpi ne, %rem3A_21, %ne3A_22 : i32
    %lt3A = arith.constant 0 : i32
    %lt3A_24 = arith.cmpi slt, %rem3A_21, %lt3A : i32
    %lt3A_25 = arith.constant 0 : i32
    %lt3A_26 = arith.cmpi slt, %select_n3A_20, %lt3A_25 : i32
    %ne3A_27 = arith.xori %lt3A_24, %lt3A_26 : i1
    %and3A_28 = arith.andi %ne3A_27, %ne3A_23 : i1
    %add3A_29 = arith.addi %rem3A_21, %select_n3A_20 : i32
    %select_n3A_30 = arith.select %and3A_28, %add3A_29, %rem3A_21 : i32
    %mul3A_31 = arith.constant 256 : i32
    %mul3A_32 = arith.muli %select_n3A_30, %mul3A_31 : i32
    "tpu.region"() ({
      %run_scoped3A = tpu.sem_alloc : memref<!tpu.dma_semaphore, #tpu.memory_space<semaphore_mem>>
      %dma_start3A_449 = arith.constant 0 : i32
      %dma_start3A_450 = tpu.memref_slice %arg5[%dma_start3A_449] : memref<256xi32, #tpu.memory_space<vmem>> -> memref<128xi32, #tpu.memory_space<vmem>>
      %dma_start3A_451 = tpu.memref_slice %arg2[%select_n3A, %mul3A_32] : memref<4x2048xi32, #tpu.memory_space<hbm>> -> memref<1x128xi32, #tpu.memory_space<hbm>>
      %dma_start3A_452 = tpu.memref_squeeze %dma_start3A_451 : memref<1x128xi32, #tpu.memory_space<hbm>> -> memref<128xi32, #tpu.memory_space<hbm>>
      %dma_start3A_453 = arith.constant 0 : i32
      %dma_start3A_454 = tpu.memref_slice %arg5[%dma_start3A_453] : memref<256xi32, #tpu.memory_space<vmem>> -> memref<128xi32, #tpu.memory_space<vmem>>
      %dma_start3A_455 = tpu.memref_slice %arg2[%select_n3A, %mul3A_32] : memref<4x2048xi32, #tpu.memory_space<hbm>> -> memref<1x128xi32, #tpu.memory_space<hbm>>
      %dma_start3A_456 = tpu.memref_squeeze %dma_start3A_455 : memref<1x128xi32, #tpu.memory_space<hbm>> -> memref<128xi32, #tpu.memory_space<hbm>>
      tpu.enqueue_dma source(%dma_start3A_456 : memref<128xi32, #tpu.memory_space<hbm>>) target(%dma_start3A_454 : memref<128xi32, #tpu.memory_space<vmem>>) target_semaphore(%run_scoped3A : memref<!tpu.dma_semaphore, #tpu.memory_space<semaphore_mem>>)
      %dma_wait3A_457 = arith.constant 0 : i32
      %dma_wait3A_458 = tpu.memref_slice %arg5[%dma_wait3A_457] : memref<256xi32, #tpu.memory_space<vmem>> -> memref<128xi32, #tpu.memory_space<vmem>>
      %dma_wait3A_459 = tpu.memref_slice %arg2[%select_n3A, %mul3A_32] : memref<4x2048xi32, #tpu.memory_space<hbm>> -> memref<1x128xi32, #tpu.memory_space<hbm>>
      %dma_wait3A_460 = tpu.memref_squeeze %dma_wait3A_459 : memref<1x128xi32, #tpu.memory_space<hbm>> -> memref<128xi32, #tpu.memory_space<hbm>>
      %dma_wait3A_461 = arith.constant 0 : i32
      %dma_wait3A_462 = tpu.memref_slice %arg5[%dma_wait3A_461] : memref<256xi32, #tpu.memory_space<vmem>> -> memref<128xi32, #tpu.memory_space<vmem>>
      %dma_wait3A_463 = tpu.memref_slice %arg2[%select_n3A, %mul3A_32] : memref<4x2048xi32, #tpu.memory_space<hbm>> -> memref<1x128xi32, #tpu.memory_space<hbm>>
      %dma_wait3A_464 = tpu.memref_squeeze %dma_wait3A_463 : memref<1x128xi32, #tpu.memory_space<hbm>> -> memref<128xi32, #tpu.memory_space<hbm>>
      tpu.wait_dma2 semaphore(%run_scoped3A : memref<!tpu.dma_semaphore, #tpu.memory_space<semaphore_mem>>) src(%dma_wait3A_464 : memref<128xi32, #tpu.memory_space<hbm>>) dst(%dma_wait3A_462 : memref<128xi32, #tpu.memory_space<vmem>>)
      tpu.yield
    }) : () -> ()
    %dma_start3A = arith.constant 0 : i32
    %dma_start3A_33 = arith.constant 0 : i32
    %dma_start3A_34 = arith.constant 0 : i32
    %dma_start3A_35 = tpu.memref_slice %arg6[%dma_start3A, %dma_start3A_33, %dma_start3A_34] : memref<5x32x768xf32, #tpu.memory_space<vmem>> -> memref<1x32x768xf32, #tpu.memory_space<vmem>>
    %dma_start3A_36 = tpu.memref_squeeze %dma_start3A_35 : memref<1x32x768xf32, #tpu.memory_space<vmem>> -> memref<32x768xf32, #tpu.memory_space<vmem>>
    %dma_start3A_37 = arith.constant 0 : i32
    %dma_start3A_38 = tpu.memref_slice %arg5[%dma_start3A_37] : memref<256xi32, #tpu.memory_space<vmem>> -> memref<32xi32, #tpu.memory_space<vmem>>
    %dma_start3A_39 = arith.constant 0 : i32
    %dma_start3A_40 = arith.constant 0 : i32
    %dma_start3A_41 = tpu.memref_slice %arg3[%dma_start3A_39, %dma_start3A_40] : memref<100000x768xf32, #tpu.memory_space<hbm>> -> memref<100000x768xf32, #tpu.memory_space<hbm>>
    tpu.enqueue_indirect_dma source(%dma_start3A_41 : memref<100000x768xf32, #tpu.memory_space<hbm>>) target(%dma_start3A_36 : memref<32x768xf32, #tpu.memory_space<vmem>>) offsets(%dma_start3A_38 : memref<32xi32, #tpu.memory_space<vmem>>) semaphore(%arg7 : memref<!tpu.dma_semaphore, #tpu.memory_space<semaphore_mem>>)
    %dma_start3A_42 = arith.constant 1 : i32
    %dma_start3A_43 = arith.constant 0 : i32
    %dma_start3A_44 = arith.constant 0 : i32
    %dma_start3A_45 = tpu.memref_slice %arg6[%dma_start3A_42, %dma_start3A_43, %dma_start3A_44] : memref<5x32x768xf32, #tpu.memory_space<vmem>> -> memref<1x32x768xf32, #tpu.memory_space<vmem>>
    %dma_start3A_46 = tpu.memref_squeeze %dma_start3A_45 : memref<1x32x768xf32, #tpu.memory_space<vmem>> -> memref<32x768xf32, #tpu.memory_space<vmem>>
    %dma_start3A_47 = arith.constant 32 : i32
    %dma_start3A_48 = tpu.memref_slice %arg5[%dma_start3A_47] : memref<256xi32, #tpu.memory_space<vmem>> -> memref<32xi32, #tpu.memory_space<vmem>>
    %dma_start3A_49 = arith.constant 0 : i32
    %dma_start3A_50 = arith.constant 0 : i32
    %dma_start3A_51 = tpu.memref_slice %arg3[%dma_start3A_49, %dma_start3A_50] : memref<100000x768xf32, #tpu.memory_space<hbm>> -> memref<100000x768xf32, #tpu.memory_space<hbm>>
    tpu.enqueue_indirect_dma source(%dma_start3A_51 : memref<100000x768xf32, #tpu.memory_space<hbm>>) target(%dma_start3A_46 : memref<32x768xf32, #tpu.memory_space<vmem>>) offsets(%dma_start3A_48 : memref<32xi32, #tpu.memory_space<vmem>>) semaphore(%arg8 : memref<!tpu.dma_semaphore, #tpu.memory_space<semaphore_mem>>)
    %dma_start3A_52 = arith.constant 2 : i32
    %dma_start3A_53 = arith.constant 0 : i32
    %dma_start3A_54 = arith.constant 0 : i32
    %dma_start3A_55 = tpu.memref_slice %arg6[%dma_start3A_52, %dma_start3A_53, %dma_start3A_54] : memref<5x32x768xf32, #tpu.memory_space<vmem>> -> memref<1x32x768xf32, #tpu.memory_space<vmem>>
    %dma_start3A_56 = tpu.memref_squeeze %dma_start3A_55 : memref<1x32x768xf32, #tpu.memory_space<vmem>> -> memref<32x768xf32, #tpu.memory_space<vmem>>
    %dma_start3A_57 = arith.constant 64 : i32
    %dma_start3A_58 = tpu.memref_slice %arg5[%dma_start3A_57] : memref<256xi32, #tpu.memory_space<vmem>> -> memref<32xi32, #tpu.memory_space<vmem>>
    %dma_start3A_59 = arith.constant 0 : i32
    %dma_start3A_60 = arith.constant 0 : i32
    %dma_start3A_61 = tpu.memref_slice %arg3[%dma_start3A_59, %dma_start3A_60] : memref<100000x768xf32, #tpu.memory_space<hbm>> -> memref<100000x768xf32, #tpu.memory_space<hbm>>
    tpu.enqueue_indirect_dma source(%dma_start3A_61 : memref<100000x768xf32, #tpu.memory_space<hbm>>) target(%dma_start3A_56 : memref<32x768xf32, #tpu.memory_space<vmem>>) offsets(%dma_start3A_58 : memref<32xi32, #tpu.memory_space<vmem>>) semaphore(%arg9 : memref<!tpu.dma_semaphore, #tpu.memory_space<semaphore_mem>>)
    %dma_start3A_62 = arith.constant 3 : i32
    %dma_start3A_63 = arith.constant 0 : i32
    %dma_start3A_64 = arith.constant 0 : i32
    %dma_start3A_65 = tpu.memref_slice %arg6[%dma_start3A_62, %dma_start3A_63, %dma_start3A_64] : memref<5x32x768xf32, #tpu.memory_space<vmem>> -> memref<1x32x768xf32, #tpu.memory_space<vmem>>
    %dma_start3A_66 = tpu.memref_squeeze %dma_start3A_65 : memref<1x32x768xf32, #tpu.memory_space<vmem>> -> memref<32x768xf32, #tpu.memory_space<vmem>>
    %dma_start3A_67 = arith.constant 96 : i32
    %dma_start3A_68 = tpu.memref_slice %arg5[%dma_start3A_67] : memref<256xi32, #tpu.memory_space<vmem>> -> memref<32xi32, #tpu.memory_space<vmem>>
    %dma_start3A_69 = arith.constant 0 : i32
    %dma_start3A_70 = arith.constant 0 : i32
    %dma_start3A_71 = tpu.memref_slice %arg3[%dma_start3A_69, %dma_start3A_70] : memref<100000x768xf32, #tpu.memory_space<hbm>> -> memref<100000x768xf32, #tpu.memory_space<hbm>>
    tpu.enqueue_indirect_dma source(%dma_start3A_71 : memref<100000x768xf32, #tpu.memory_space<hbm>>) target(%dma_start3A_66 : memref<32x768xf32, #tpu.memory_space<vmem>>) offsets(%dma_start3A_68 : memref<32xi32, #tpu.memory_space<vmem>>) semaphore(%arg10 : memref<!tpu.dma_semaphore, #tpu.memory_space<semaphore_mem>>)
    %add3A_72 = arith.constant 128 : i32
    %add3A_73 = arith.addi %mul3A_32, %add3A_72 : i32
    "tpu.region"() ({
      %run_scoped3A = tpu.sem_alloc : memref<!tpu.dma_semaphore, #tpu.memory_space<semaphore_mem>>
      %dma_start3A_449 = arith.constant 128 : i32
      %dma_start3A_450 = tpu.memref_slice %arg5[%dma_start3A_449] : memref<256xi32, #tpu.memory_space<vmem>> -> memref<128xi32, #tpu.memory_space<vmem>>
      %dma_start3A_451 = tpu.memref_slice %arg2[%select_n3A, %add3A_73] : memref<4x2048xi32, #tpu.memory_space<hbm>> -> memref<1x128xi32, #tpu.memory_space<hbm>>
      %dma_start3A_452 = tpu.memref_squeeze %dma_start3A_451 : memref<1x128xi32, #tpu.memory_space<hbm>> -> memref<128xi32, #tpu.memory_space<hbm>>
      %dma_start3A_453 = arith.constant 128 : i32
      %dma_start3A_454 = tpu.memref_slice %arg5[%dma_start3A_453] : memref<256xi32, #tpu.memory_space<vmem>> -> memref<128xi32, #tpu.memory_space<vmem>>
      %dma_start3A_455 = tpu.memref_slice %arg2[%select_n3A, %add3A_73] : memref<4x2048xi32, #tpu.memory_space<hbm>> -> memref<1x128xi32, #tpu.memory_space<hbm>>
      %dma_start3A_456 = tpu.memref_squeeze %dma_start3A_455 : memref<1x128xi32, #tpu.memory_space<hbm>> -> memref<128xi32, #tpu.memory_space<hbm>>
      tpu.enqueue_dma source(%dma_start3A_456 : memref<128xi32, #tpu.memory_space<hbm>>) target(%dma_start3A_454 : memref<128xi32, #tpu.memory_space<vmem>>) target_semaphore(%run_scoped3A : memref<!tpu.dma_semaphore, #tpu.memory_space<semaphore_mem>>)
      %dma_wait3A_457 = arith.constant 128 : i32
      %dma_wait3A_458 = tpu.memref_slice %arg5[%dma_wait3A_457] : memref<256xi32, #tpu.memory_space<vmem>> -> memref<128xi32, #tpu.memory_space<vmem>>
      %dma_wait3A_459 = tpu.memref_slice %arg2[%select_n3A, %add3A_73] : memref<4x2048xi32, #tpu.memory_space<hbm>> -> memref<1x128xi32, #tpu.memory_space<hbm>>
      %dma_wait3A_460 = tpu.memref_squeeze %dma_wait3A_459 : memref<1x128xi32, #tpu.memory_space<hbm>> -> memref<128xi32, #tpu.memory_space<hbm>>
      %dma_wait3A_461 = arith.constant 128 : i32
      %dma_wait3A_462 = tpu.memref_slice %arg5[%dma_wait3A_461] : memref<256xi32, #tpu.memory_space<vmem>> -> memref<128xi32, #tpu.memory_space<vmem>>
      %dma_wait3A_463 = tpu.memref_slice %arg2[%select_n3A, %add3A_73] : memref<4x2048xi32, #tpu.memory_space<hbm>> -> memref<1x128xi32, #tpu.memory_space<hbm>>
      %dma_wait3A_464 = tpu.memref_squeeze %dma_wait3A_463 : memref<1x128xi32, #tpu.memory_space<hbm>> -> memref<128xi32, #tpu.memory_space<hbm>>
      tpu.wait_dma2 semaphore(%run_scoped3A : memref<!tpu.dma_semaphore, #tpu.memory_space<semaphore_mem>>) src(%dma_wait3A_464 : memref<128xi32, #tpu.memory_space<hbm>>) dst(%dma_wait3A_462 : memref<128xi32, #tpu.memory_space<vmem>>)
      tpu.yield
    }) : () -> ()
    %dma_start3A_74 = arith.constant 4 : i32
    %dma_start3A_75 = arith.constant 0 : i32
    %dma_start3A_76 = arith.constant 0 : i32
    %dma_start3A_77 = tpu.memref_slice %arg6[%dma_start3A_74, %dma_start3A_75, %dma_start3A_76] : memref<5x32x768xf32, #tpu.memory_space<vmem>> -> memref<1x32x768xf32, #tpu.memory_space<vmem>>
    %dma_start3A_78 = tpu.memref_squeeze %dma_start3A_77 : memref<1x32x768xf32, #tpu.memory_space<vmem>> -> memref<32x768xf32, #tpu.memory_space<vmem>>
    %dma_start3A_79 = arith.constant 128 : i32
    %dma_start3A_80 = tpu.memref_slice %arg5[%dma_start3A_79] : memref<256xi32, #tpu.memory_space<vmem>> -> memref<32xi32, #tpu.memory_space<vmem>>
    %dma_start3A_81 = arith.constant 0 : i32
    %dma_start3A_82 = arith.constant 0 : i32
    %dma_start3A_83 = tpu.memref_slice %arg3[%dma_start3A_81, %dma_start3A_82] : memref<100000x768xf32, #tpu.memory_space<hbm>> -> memref<100000x768xf32, #tpu.memory_space<hbm>>
    tpu.enqueue_indirect_dma source(%dma_start3A_83 : memref<100000x768xf32, #tpu.memory_space<hbm>>) target(%dma_start3A_78 : memref<32x768xf32, #tpu.memory_space<vmem>>) offsets(%dma_start3A_80 : memref<32xi32, #tpu.memory_space<vmem>>) semaphore(%arg11 : memref<!tpu.dma_semaphore, #tpu.memory_space<semaphore_mem>>)
    %dma_wait3A = arith.constant 0 : i32
    %dma_wait3A_84 = arith.constant 0 : i32
    %dma_wait3A_85 = arith.constant 0 : i32
    %dma_wait3A_86 = tpu.memref_slice %arg6[%dma_wait3A, %dma_wait3A_84, %dma_wait3A_85] : memref<5x32x768xf32, #tpu.memory_space<vmem>> -> memref<1x32x768xf32, #tpu.memory_space<vmem>>
    %dma_wait3A_87 = tpu.memref_squeeze %dma_wait3A_86 : memref<1x32x768xf32, #tpu.memory_space<vmem>> -> memref<32x768xf32, #tpu.memory_space<vmem>>
    %dma_wait3A_88 = arith.constant 0 : i32
    %dma_wait3A_89 = tpu.memref_slice %arg5[%dma_wait3A_88] : memref<256xi32, #tpu.memory_space<vmem>> -> memref<32xi32, #tpu.memory_space<vmem>>
    %dma_wait3A_90 = arith.constant 0 : i32
    %dma_wait3A_91 = arith.constant 0 : i32
    %dma_wait3A_92 = tpu.memref_slice %arg3[%dma_wait3A_90, %dma_wait3A_91] : memref<100000x768xf32, #tpu.memory_space<hbm>> -> memref<100000x768xf32, #tpu.memory_space<hbm>>
    tpu.wait_indirect_dma semaphore(%arg7 : memref<!tpu.dma_semaphore, #tpu.memory_space<semaphore_mem>>) src(%dma_wait3A_92 : memref<100000x768xf32, #tpu.memory_space<hbm>>) dst(%dma_wait3A_87 : memref<32x768xf32, #tpu.memory_space<vmem>>)
    %add3A_93 = arith.constant 0 : i32
    %add3A_94 = arith.addi %mul3A_32, %add3A_93 : i32
    %dma_start3A_95 = arith.constant 0 : i32
    %dma_start3A_96 = arith.constant 0 : i32
    %dma_start3A_97 = arith.constant 0 : i32
    %dma_start3A_98 = tpu.memref_slice %arg6[%dma_start3A_95, %dma_start3A_96, %dma_start3A_97] : memref<5x32x768xf32, #tpu.memory_space<vmem>> -> memref<1x32x768xf32, #tpu.memory_space<vmem>>
    %dma_start3A_99 = tpu.memref_squeeze %dma_start3A_98 : memref<1x32x768xf32, #tpu.memory_space<vmem>> -> memref<32x768xf32, #tpu.memory_space<vmem>>
    %dma_start3A_100 = arith.constant 0 : i32
    %dma_start3A_101 = tpu.memref_slice %arg4[%select_n3A, %add3A_94, %dma_start3A_100] : memref<4x2048x768xf32, #tpu.memory_space<hbm>> -> memref<1x32x768xf32, #tpu.memory_space<hbm>>
    %dma_start3A_102 = tpu.memref_squeeze %dma_start3A_101 : memref<1x32x768xf32, #tpu.memory_space<hbm>> -> memref<32x768xf32, #tpu.memory_space<hbm>>
    %dma_start3A_103 = arith.constant 0 : i32
    %dma_start3A_104 = tpu.memref_slice %arg4[%select_n3A, %add3A_94, %dma_start3A_103] : memref<4x2048x768xf32, #tpu.memory_space<hbm>> -> memref<1x32x768xf32, #tpu.memory_space<hbm>>
    %dma_start3A_105 = tpu.memref_squeeze %dma_start3A_104 : memref<1x32x768xf32, #tpu.memory_space<hbm>> -> memref<32x768xf32, #tpu.memory_space<hbm>>
    %dma_start3A_106 = arith.constant 0 : i32
    %dma_start3A_107 = arith.constant 0 : i32
    %dma_start3A_108 = tpu.memref_slice %arg6[%dma_start3A_95, %dma_start3A_106, %dma_start3A_107] : memref<5x32x768xf32, #tpu.memory_space<vmem>> -> memref<1x32x768xf32, #tpu.memory_space<vmem>>
    %dma_start3A_109 = tpu.memref_squeeze %dma_start3A_108 : memref<1x32x768xf32, #tpu.memory_space<vmem>> -> memref<32x768xf32, #tpu.memory_space<vmem>>
    tpu.enqueue_dma source(%dma_start3A_109 : memref<32x768xf32, #tpu.memory_space<vmem>>) target(%dma_start3A_105 : memref<32x768xf32, #tpu.memory_space<hbm>>) target_semaphore(%arg12 : memref<!tpu.dma_semaphore, #tpu.memory_space<semaphore_mem>>)
    %dma_wait3A_110 = arith.constant 0 : i32
    %dma_wait3A_111 = arith.constant 0 : i32
    %dma_wait3A_112 = arith.constant 0 : i32
    %dma_wait3A_113 = tpu.memref_slice %arg6[%dma_wait3A_110, %dma_wait3A_111, %dma_wait3A_112] : memref<5x32x768xf32, #tpu.memory_space<vmem>> -> memref<1x32x768xf32, #tpu.memory_space<vmem>>
    %dma_wait3A_114 = tpu.memref_squeeze %dma_wait3A_113 : memref<1x32x768xf32, #tpu.memory_space<vmem>> -> memref<32x768xf32, #tpu.memory_space<vmem>>
    %dma_wait3A_115 = arith.constant 0 : i32
    %dma_wait3A_116 = tpu.memref_slice %arg4[%select_n3A, %add3A_94, %dma_wait3A_115] : memref<4x2048x768xf32, #tpu.memory_space<hbm>> -> memref<1x32x768xf32, #tpu.memory_space<hbm>>
    %dma_wait3A_117 = tpu.memref_squeeze %dma_wait3A_116 : memref<1x32x768xf32, #tpu.memory_space<hbm>> -> memref<32x768xf32, #tpu.memory_space<hbm>>
    %dma_wait3A_118 = arith.constant 0 : i32
    %dma_wait3A_119 = tpu.memref_slice %arg4[%select_n3A, %add3A_94, %dma_wait3A_118] : memref<4x2048x768xf32, #tpu.memory_space<hbm>> -> memref<1x32x768xf32, #tpu.memory_space<hbm>>
    %dma_wait3A_120 = tpu.memref_squeeze %dma_wait3A_119 : memref<1x32x768xf32, #tpu.memory_space<hbm>> -> memref<32x768xf32, #tpu.memory_space<hbm>>
    %dma_wait3A_121 = arith.constant 0 : i32
    %dma_wait3A_122 = arith.constant 0 : i32
    %dma_wait3A_123 = tpu.memref_slice %arg6[%dma_wait3A_110, %dma_wait3A_121, %dma_wait3A_122] : memref<5x32x768xf32, #tpu.memory_space<vmem>> -> memref<1x32x768xf32, #tpu.memory_space<vmem>>
    %dma_wait3A_124 = tpu.memref_squeeze %dma_wait3A_123 : memref<1x32x768xf32, #tpu.memory_space<vmem>> -> memref<32x768xf32, #tpu.memory_space<vmem>>
    tpu.wait_dma2 semaphore(%arg12 : memref<!tpu.dma_semaphore, #tpu.memory_space<semaphore_mem>>) src(%dma_wait3A_124 : memref<32x768xf32, #tpu.memory_space<vmem>>) dst(%dma_wait3A_120 : memref<32x768xf32, #tpu.memory_space<hbm>>)
    %dma_start3A_125 = arith.constant 0 : i32
    %dma_start3A_126 = arith.constant 0 : i32
    %dma_start3A_127 = arith.constant 0 : i32
    %dma_start3A_128 = tpu.memref_slice %arg6[%dma_start3A_125, %dma_start3A_126, %dma_start3A_127] : memref<5x32x768xf32, #tpu.memory_space<vmem>> -> memref<1x32x768xf32, #tpu.memory_space<vmem>>
    %dma_start3A_129 = tpu.memref_squeeze %dma_start3A_128 : memref<1x32x768xf32, #tpu.memory_space<vmem>> -> memref<32x768xf32, #tpu.memory_space<vmem>>
    %dma_start3A_130 = arith.constant 160 : i32
    %dma_start3A_131 = tpu.memref_slice %arg5[%dma_start3A_130] : memref<256xi32, #tpu.memory_space<vmem>> -> memref<32xi32, #tpu.memory_space<vmem>>
    %dma_start3A_132 = arith.constant 0 : i32
    %dma_start3A_133 = arith.constant 0 : i32
    %dma_start3A_134 = tpu.memref_slice %arg3[%dma_start3A_132, %dma_start3A_133] : memref<100000x768xf32, #tpu.memory_space<hbm>> -> memref<100000x768xf32, #tpu.memory_space<hbm>>
    tpu.enqueue_indirect_dma source(%dma_start3A_134 : memref<100000x768xf32, #tpu.memory_space<hbm>>) target(%dma_start3A_129 : memref<32x768xf32, #tpu.memory_space<vmem>>) offsets(%dma_start3A_131 : memref<32xi32, #tpu.memory_space<vmem>>) semaphore(%arg7 : memref<!tpu.dma_semaphore, #tpu.memory_space<semaphore_mem>>)
    %dma_wait3A_135 = arith.constant 1 : i32
    %dma_wait3A_136 = arith.constant 0 : i32
    %dma_wait3A_137 = arith.constant 0 : i32
    %dma_wait3A_138 = tpu.memref_slice %arg6[%dma_wait3A_135, %dma_wait3A_136, %dma_wait3A_137] : memref<5x32x768xf32, #tpu.memory_space<vmem>> -> memref<1x32x768xf32, #tpu.memory_space<vmem>>
    %dma_wait3A_139 = tpu.memref_squeeze %dma_wait3A_138 : memref<1x32x768xf32, #tpu.memory_space<vmem>> -> memref<32x768xf32, #tpu.memory_space<vmem>>
    %dma_wait3A_140 = arith.constant 32 : i32
    %dma_wait3A_141 = tpu.memref_slice %arg5[%dma_wait3A_140] : memref<256xi32, #tpu.memory_space<vmem>> -> memref<32xi32, #tpu.memory_space<vmem>>
    %dma_wait3A_142 = arith.constant 0 : i32
    %dma_wait3A_143 = arith.constant 0 : i32
    %dma_wait3A_144 = tpu.memref_slice %arg3[%dma_wait3A_142, %dma_wait3A_143] : memref<100000x768xf32, #tpu.memory_space<hbm>> -> memref<100000x768xf32, #tpu.memory_space<hbm>>
    tpu.wait_indirect_dma semaphore(%arg8 : memref<!tpu.dma_semaphore, #tpu.memory_space<semaphore_mem>>) src(%dma_wait3A_144 : memref<100000x768xf32, #tpu.memory_space<hbm>>) dst(%dma_wait3A_139 : memref<32x768xf32, #tpu.memory_space<vmem>>)
    %add3A_145 = arith.constant 32 : i32
    %add3A_146 = arith.addi %mul3A_32, %add3A_145 : i32
    %dma_start3A_147 = arith.constant 1 : i32
    %dma_start3A_148 = arith.constant 0 : i32
    %dma_start3A_149 = arith.constant 0 : i32
    %dma_start3A_150 = tpu.memref_slice %arg6[%dma_start3A_147, %dma_start3A_148, %dma_start3A_149] : memref<5x32x768xf32, #tpu.memory_space<vmem>> -> memref<1x32x768xf32, #tpu.memory_space<vmem>>
    %dma_start3A_151 = tpu.memref_squeeze %dma_start3A_150 : memref<1x32x768xf32, #tpu.memory_space<vmem>> -> memref<32x768xf32, #tpu.memory_space<vmem>>
    %dma_start3A_152 = arith.constant 0 : i32
    %dma_start3A_153 = tpu.memref_slice %arg4[%select_n3A, %add3A_146, %dma_start3A_152] : memref<4x2048x768xf32, #tpu.memory_space<hbm>> -> memref<1x32x768xf32, #tpu.memory_space<hbm>>
    %dma_start3A_154 = tpu.memref_squeeze %dma_start3A_153 : memref<1x32x768xf32, #tpu.memory_space<hbm>> -> memref<32x768xf32, #tpu.memory_space<hbm>>
    %dma_start3A_155 = arith.constant 0 : i32
    %dma_start3A_156 = tpu.memref_slice %arg4[%select_n3A, %add3A_146, %dma_start3A_155] : memref<4x2048x768xf32, #tpu.memory_space<hbm>> -> memref<1x32x768xf32, #tpu.memory_space<hbm>>
    %dma_start3A_157 = tpu.memref_squeeze %dma_start3A_156 : memref<1x32x768xf32, #tpu.memory_space<hbm>> -> memref<32x768xf32, #tpu.memory_space<hbm>>
    %dma_start3A_158 = arith.constant 0 : i32
    %dma_start3A_159 = arith.constant 0 : i32
    %dma_start3A_160 = tpu.memref_slice %arg6[%dma_start3A_147, %dma_start3A_158, %dma_start3A_159] : memref<5x32x768xf32, #tpu.memory_space<vmem>> -> memref<1x32x768xf32, #tpu.memory_space<vmem>>
    %dma_start3A_161 = tpu.memref_squeeze %dma_start3A_160 : memref<1x32x768xf32, #tpu.memory_space<vmem>> -> memref<32x768xf32, #tpu.memory_space<vmem>>
    tpu.enqueue_dma source(%dma_start3A_161 : memref<32x768xf32, #tpu.memory_space<vmem>>) target(%dma_start3A_157 : memref<32x768xf32, #tpu.memory_space<hbm>>) target_semaphore(%arg13 : memref<!tpu.dma_semaphore, #tpu.memory_space<semaphore_mem>>)
    %dma_wait3A_162 = arith.constant 1 : i32
    %dma_wait3A_163 = arith.constant 0 : i32
    %dma_wait3A_164 = arith.constant 0 : i32
    %dma_wait3A_165 = tpu.memref_slice %arg6[%dma_wait3A_162, %dma_wait3A_163, %dma_wait3A_164] : memref<5x32x768xf32, #tpu.memory_space<vmem>> -> memref<1x32x768xf32, #tpu.memory_space<vmem>>
    %dma_wait3A_166 = tpu.memref_squeeze %dma_wait3A_165 : memref<1x32x768xf32, #tpu.memory_space<vmem>> -> memref<32x768xf32, #tpu.memory_space<vmem>>
    %dma_wait3A_167 = arith.constant 0 : i32
    %dma_wait3A_168 = tpu.memref_slice %arg4[%select_n3A, %add3A_146, %dma_wait3A_167] : memref<4x2048x768xf32, #tpu.memory_space<hbm>> -> memref<1x32x768xf32, #tpu.memory_space<hbm>>
    %dma_wait3A_169 = tpu.memref_squeeze %dma_wait3A_168 : memref<1x32x768xf32, #tpu.memory_space<hbm>> -> memref<32x768xf32, #tpu.memory_space<hbm>>
    %dma_wait3A_170 = arith.constant 0 : i32
    %dma_wait3A_171 = tpu.memref_slice %arg4[%select_n3A, %add3A_146, %dma_wait3A_170] : memref<4x2048x768xf32, #tpu.memory_space<hbm>> -> memref<1x32x768xf32, #tpu.memory_space<hbm>>
    %dma_wait3A_172 = tpu.memref_squeeze %dma_wait3A_171 : memref<1x32x768xf32, #tpu.memory_space<hbm>> -> memref<32x768xf32, #tpu.memory_space<hbm>>
    %dma_wait3A_173 = arith.constant 0 : i32
    %dma_wait3A_174 = arith.constant 0 : i32
    %dma_wait3A_175 = tpu.memref_slice %arg6[%dma_wait3A_162, %dma_wait3A_173, %dma_wait3A_174] : memref<5x32x768xf32, #tpu.memory_space<vmem>> -> memref<1x32x768xf32, #tpu.memory_space<vmem>>
    %dma_wait3A_176 = tpu.memref_squeeze %dma_wait3A_175 : memref<1x32x768xf32, #tpu.memory_space<vmem>> -> memref<32x768xf32, #tpu.memory_space<vmem>>
    tpu.wait_dma2 semaphore(%arg13 : memref<!tpu.dma_semaphore, #tpu.memory_space<semaphore_mem>>) src(%dma_wait3A_176 : memref<32x768xf32, #tpu.memory_space<vmem>>) dst(%dma_wait3A_172 : memref<32x768xf32, #tpu.memory_space<hbm>>)
    %dma_start3A_177 = arith.constant 1 : i32
    %dma_start3A_178 = arith.constant 0 : i32
    %dma_start3A_179 = arith.constant 0 : i32
    %dma_start3A_180 = tpu.memref_slice %arg6[%dma_start3A_177, %dma_start3A_178, %dma_start3A_179] : memref<5x32x768xf32, #tpu.memory_space<vmem>> -> memref<1x32x768xf32, #tpu.memory_space<vmem>>
    %dma_start3A_181 = tpu.memref_squeeze %dma_start3A_180 : memref<1x32x768xf32, #tpu.memory_space<vmem>> -> memref<32x768xf32, #tpu.memory_space<vmem>>
    %dma_start3A_182 = arith.constant 192 : i32
    %dma_start3A_183 = tpu.memref_slice %arg5[%dma_start3A_182] : memref<256xi32, #tpu.memory_space<vmem>> -> memref<32xi32, #tpu.memory_space<vmem>>
    %dma_start3A_184 = arith.constant 0 : i32
    %dma_start3A_185 = arith.constant 0 : i32
    %dma_start3A_186 = tpu.memref_slice %arg3[%dma_start3A_184, %dma_start3A_185] : memref<100000x768xf32, #tpu.memory_space<hbm>> -> memref<100000x768xf32, #tpu.memory_space<hbm>>
    tpu.enqueue_indirect_dma source(%dma_start3A_186 : memref<100000x768xf32, #tpu.memory_space<hbm>>) target(%dma_start3A_181 : memref<32x768xf32, #tpu.memory_space<vmem>>) offsets(%dma_start3A_183 : memref<32xi32, #tpu.memory_space<vmem>>) semaphore(%arg8 : memref<!tpu.dma_semaphore, #tpu.memory_space<semaphore_mem>>)
    %dma_wait3A_187 = arith.constant 2 : i32
    %dma_wait3A_188 = arith.constant 0 : i32
    %dma_wait3A_189 = arith.constant 0 : i32
    %dma_wait3A_190 = tpu.memref_slice %arg6[%dma_wait3A_187, %dma_wait3A_188, %dma_wait3A_189] : memref<5x32x768xf32, #tpu.memory_space<vmem>> -> memref<1x32x768xf32, #tpu.memory_space<vmem>>
    %dma_wait3A_191 = tpu.memref_squeeze %dma_wait3A_190 : memref<1x32x768xf32, #tpu.memory_space<vmem>> -> memref<32x768xf32, #tpu.memory_space<vmem>>
    %dma_wait3A_192 = arith.constant 64 : i32
    %dma_wait3A_193 = tpu.memref_slice %arg5[%dma_wait3A_192] : memref<256xi32, #tpu.memory_space<vmem>> -> memref<32xi32, #tpu.memory_space<vmem>>
    %dma_wait3A_194 = arith.constant 0 : i32
    %dma_wait3A_195 = arith.constant 0 : i32
    %dma_wait3A_196 = tpu.memref_slice %arg3[%dma_wait3A_194, %dma_wait3A_195] : memref<100000x768xf32, #tpu.memory_space<hbm>> -> memref<100000x768xf32, #tpu.memory_space<hbm>>
    tpu.wait_indirect_dma semaphore(%arg9 : memref<!tpu.dma_semaphore, #tpu.memory_space<semaphore_mem>>) src(%dma_wait3A_196 : memref<100000x768xf32, #tpu.memory_space<hbm>>) dst(%dma_wait3A_191 : memref<32x768xf32, #tpu.memory_space<vmem>>)
    %add3A_197 = arith.constant 64 : i32
    %add3A_198 = arith.addi %mul3A_32, %add3A_197 : i32
    %dma_start3A_199 = arith.constant 2 : i32
    %dma_start3A_200 = arith.constant 0 : i32
    %dma_start3A_201 = arith.constant 0 : i32
    %dma_start3A_202 = tpu.memref_slice %arg6[%dma_start3A_199, %dma_start3A_200, %dma_start3A_201] : memref<5x32x768xf32, #tpu.memory_space<vmem>> -> memref<1x32x768xf32, #tpu.memory_space<vmem>>
    %dma_start3A_203 = tpu.memref_squeeze %dma_start3A_202 : memref<1x32x768xf32, #tpu.memory_space<vmem>> -> memref<32x768xf32, #tpu.memory_space<vmem>>
    %dma_start3A_204 = arith.constant 0 : i32
    %dma_start3A_205 = tpu.memref_slice %arg4[%select_n3A, %add3A_198, %dma_start3A_204] : memref<4x2048x768xf32, #tpu.memory_space<hbm>> -> memref<1x32x768xf32, #tpu.memory_space<hbm>>
    %dma_start3A_206 = tpu.memref_squeeze %dma_start3A_205 : memref<1x32x768xf32, #tpu.memory_space<hbm>> -> memref<32x768xf32, #tpu.memory_space<hbm>>
    %dma_start3A_207 = arith.constant 0 : i32
    %dma_start3A_208 = tpu.memref_slice %arg4[%select_n3A, %add3A_198, %dma_start3A_207] : memref<4x2048x768xf32, #tpu.memory_space<hbm>> -> memref<1x32x768xf32, #tpu.memory_space<hbm>>
    %dma_start3A_209 = tpu.memref_squeeze %dma_start3A_208 : memref<1x32x768xf32, #tpu.memory_space<hbm>> -> memref<32x768xf32, #tpu.memory_space<hbm>>
    %dma_start3A_210 = arith.constant 0 : i32
    %dma_start3A_211 = arith.constant 0 : i32
    %dma_start3A_212 = tpu.memref_slice %arg6[%dma_start3A_199, %dma_start3A_210, %dma_start3A_211] : memref<5x32x768xf32, #tpu.memory_space<vmem>> -> memref<1x32x768xf32, #tpu.memory_space<vmem>>
    %dma_start3A_213 = tpu.memref_squeeze %dma_start3A_212 : memref<1x32x768xf32, #tpu.memory_space<vmem>> -> memref<32x768xf32, #tpu.memory_space<vmem>>
    tpu.enqueue_dma source(%dma_start3A_213 : memref<32x768xf32, #tpu.memory_space<vmem>>) target(%dma_start3A_209 : memref<32x768xf32, #tpu.memory_space<hbm>>) target_semaphore(%arg14 : memref<!tpu.dma_semaphore, #tpu.memory_space<semaphore_mem>>)
    %dma_wait3A_214 = arith.constant 2 : i32
    %dma_wait3A_215 = arith.constant 0 : i32
    %dma_wait3A_216 = arith.constant 0 : i32
    %dma_wait3A_217 = tpu.memref_slice %arg6[%dma_wait3A_214, %dma_wait3A_215, %dma_wait3A_216] : memref<5x32x768xf32, #tpu.memory_space<vmem>> -> memref<1x32x768xf32, #tpu.memory_space<vmem>>
    %dma_wait3A_218 = tpu.memref_squeeze %dma_wait3A_217 : memref<1x32x768xf32, #tpu.memory_space<vmem>> -> memref<32x768xf32, #tpu.memory_space<vmem>>
    %dma_wait3A_219 = arith.constant 0 : i32
    %dma_wait3A_220 = tpu.memref_slice %arg4[%select_n3A, %add3A_198, %dma_wait3A_219] : memref<4x2048x768xf32, #tpu.memory_space<hbm>> -> memref<1x32x768xf32, #tpu.memory_space<hbm>>
    %dma_wait3A_221 = tpu.memref_squeeze %dma_wait3A_220 : memref<1x32x768xf32, #tpu.memory_space<hbm>> -> memref<32x768xf32, #tpu.memory_space<hbm>>
    %dma_wait3A_222 = arith.constant 0 : i32
    %dma_wait3A_223 = tpu.memref_slice %arg4[%select_n3A, %add3A_198, %dma_wait3A_222] : memref<4x2048x768xf32, #tpu.memory_space<hbm>> -> memref<1x32x768xf32, #tpu.memory_space<hbm>>
    %dma_wait3A_224 = tpu.memref_squeeze %dma_wait3A_223 : memref<1x32x768xf32, #tpu.memory_space<hbm>> -> memref<32x768xf32, #tpu.memory_space<hbm>>
    %dma_wait3A_225 = arith.constant 0 : i32
    %dma_wait3A_226 = arith.constant 0 : i32
    %dma_wait3A_227 = tpu.memref_slice %arg6[%dma_wait3A_214, %dma_wait3A_225, %dma_wait3A_226] : memref<5x32x768xf32, #tpu.memory_space<vmem>> -> memref<1x32x768xf32, #tpu.memory_space<vmem>>
    %dma_wait3A_228 = tpu.memref_squeeze %dma_wait3A_227 : memref<1x32x768xf32, #tpu.memory_space<vmem>> -> memref<32x768xf32, #tpu.memory_space<vmem>>
    tpu.wait_dma2 semaphore(%arg14 : memref<!tpu.dma_semaphore, #tpu.memory_space<semaphore_mem>>) src(%dma_wait3A_228 : memref<32x768xf32, #tpu.memory_space<vmem>>) dst(%dma_wait3A_224 : memref<32x768xf32, #tpu.memory_space<hbm>>)
    %dma_start3A_229 = arith.constant 2 : i32
    %dma_start3A_230 = arith.constant 0 : i32
    %dma_start3A_231 = arith.constant 0 : i32
    %dma_start3A_232 = tpu.memref_slice %arg6[%dma_start3A_229, %dma_start3A_230, %dma_start3A_231] : memref<5x32x768xf32, #tpu.memory_space<vmem>> -> memref<1x32x768xf32, #tpu.memory_space<vmem>>
    %dma_start3A_233 = tpu.memref_squeeze %dma_start3A_232 : memref<1x32x768xf32, #tpu.memory_space<vmem>> -> memref<32x768xf32, #tpu.memory_space<vmem>>
    %dma_start3A_234 = arith.constant 224 : i32
    %dma_start3A_235 = tpu.memref_slice %arg5[%dma_start3A_234] : memref<256xi32, #tpu.memory_space<vmem>> -> memref<32xi32, #tpu.memory_space<vmem>>
    %dma_start3A_236 = arith.constant 0 : i32
    %dma_start3A_237 = arith.constant 0 : i32
    %dma_start3A_238 = tpu.memref_slice %arg3[%dma_start3A_236, %dma_start3A_237] : memref<100000x768xf32, #tpu.memory_space<hbm>> -> memref<100000x768xf32, #tpu.memory_space<hbm>>
    tpu.enqueue_indirect_dma source(%dma_start3A_238 : memref<100000x768xf32, #tpu.memory_space<hbm>>) target(%dma_start3A_233 : memref<32x768xf32, #tpu.memory_space<vmem>>) offsets(%dma_start3A_235 : memref<32xi32, #tpu.memory_space<vmem>>) semaphore(%arg9 : memref<!tpu.dma_semaphore, #tpu.memory_space<semaphore_mem>>)
    %dma_wait3A_239 = arith.constant 3 : i32
    %dma_wait3A_240 = arith.constant 0 : i32
    %dma_wait3A_241 = arith.constant 0 : i32
    %dma_wait3A_242 = tpu.memref_slice %arg6[%dma_wait3A_239, %dma_wait3A_240, %dma_wait3A_241] : memref<5x32x768xf32, #tpu.memory_space<vmem>> -> memref<1x32x768xf32, #tpu.memory_space<vmem>>
    %dma_wait3A_243 = tpu.memref_squeeze %dma_wait3A_242 : memref<1x32x768xf32, #tpu.memory_space<vmem>> -> memref<32x768xf32, #tpu.memory_space<vmem>>
    %dma_wait3A_244 = arith.constant 96 : i32
    %dma_wait3A_245 = tpu.memref_slice %arg5[%dma_wait3A_244] : memref<256xi32, #tpu.memory_space<vmem>> -> memref<32xi32, #tpu.memory_space<vmem>>
    %dma_wait3A_246 = arith.constant 0 : i32
    %dma_wait3A_247 = arith.constant 0 : i32
    %dma_wait3A_248 = tpu.memref_slice %arg3[%dma_wait3A_246, %dma_wait3A_247] : memref<100000x768xf32, #tpu.memory_space<hbm>> -> memref<100000x768xf32, #tpu.memory_space<hbm>>
    tpu.wait_indirect_dma semaphore(%arg10 : memref<!tpu.dma_semaphore, #tpu.memory_space<semaphore_mem>>) src(%dma_wait3A_248 : memref<100000x768xf32, #tpu.memory_space<hbm>>) dst(%dma_wait3A_243 : memref<32x768xf32, #tpu.memory_space<vmem>>)
    %add3A_249 = arith.constant 96 : i32
    %add3A_250 = arith.addi %mul3A_32, %add3A_249 : i32
    %dma_start3A_251 = arith.constant 3 : i32
    %dma_start3A_252 = arith.constant 0 : i32
    %dma_start3A_253 = arith.constant 0 : i32
    %dma_start3A_254 = tpu.memref_slice %arg6[%dma_start3A_251, %dma_start3A_252, %dma_start3A_253] : memref<5x32x768xf32, #tpu.memory_space<vmem>> -> memref<1x32x768xf32, #tpu.memory_space<vmem>>
    %dma_start3A_255 = tpu.memref_squeeze %dma_start3A_254 : memref<1x32x768xf32, #tpu.memory_space<vmem>> -> memref<32x768xf32, #tpu.memory_space<vmem>>
    %dma_start3A_256 = arith.constant 0 : i32
    %dma_start3A_257 = tpu.memref_slice %arg4[%select_n3A, %add3A_250, %dma_start3A_256] : memref<4x2048x768xf32, #tpu.memory_space<hbm>> -> memref<1x32x768xf32, #tpu.memory_space<hbm>>
    %dma_start3A_258 = tpu.memref_squeeze %dma_start3A_257 : memref<1x32x768xf32, #tpu.memory_space<hbm>> -> memref<32x768xf32, #tpu.memory_space<hbm>>
    %dma_start3A_259 = arith.constant 0 : i32
    %dma_start3A_260 = tpu.memref_slice %arg4[%select_n3A, %add3A_250, %dma_start3A_259] : memref<4x2048x768xf32, #tpu.memory_space<hbm>> -> memref<1x32x768xf32, #tpu.memory_space<hbm>>
    %dma_start3A_261 = tpu.memref_squeeze %dma_start3A_260 : memref<1x32x768xf32, #tpu.memory_space<hbm>> -> memref<32x768xf32, #tpu.memory_space<hbm>>
    %dma_start3A_262 = arith.constant 0 : i32
    %dma_start3A_263 = arith.constant 0 : i32
    %dma_start3A_264 = tpu.memref_slice %arg6[%dma_start3A_251, %dma_start3A_262, %dma_start3A_263] : memref<5x32x768xf32, #tpu.memory_space<vmem>> -> memref<1x32x768xf32, #tpu.memory_space<vmem>>
    %dma_start3A_265 = tpu.memref_squeeze %dma_start3A_264 : memref<1x32x768xf32, #tpu.memory_space<vmem>> -> memref<32x768xf32, #tpu.memory_space<vmem>>
    tpu.enqueue_dma source(%dma_start3A_265 : memref<32x768xf32, #tpu.memory_space<vmem>>) target(%dma_start3A_261 : memref<32x768xf32, #tpu.memory_space<hbm>>) target_semaphore(%arg15 : memref<!tpu.dma_semaphore, #tpu.memory_space<semaphore_mem>>)
    %dma_wait3A_266 = arith.constant 4 : i32
    %dma_wait3A_267 = arith.constant 0 : i32
    %dma_wait3A_268 = arith.constant 0 : i32
    %dma_wait3A_269 = tpu.memref_slice %arg6[%dma_wait3A_266, %dma_wait3A_267, %dma_wait3A_268] : memref<5x32x768xf32, #tpu.memory_space<vmem>> -> memref<1x32x768xf32, #tpu.memory_space<vmem>>
    %dma_wait3A_270 = tpu.memref_squeeze %dma_wait3A_269 : memref<1x32x768xf32, #tpu.memory_space<vmem>> -> memref<32x768xf32, #tpu.memory_space<vmem>>
    %dma_wait3A_271 = arith.constant 128 : i32
    %dma_wait3A_272 = tpu.memref_slice %arg5[%dma_wait3A_271] : memref<256xi32, #tpu.memory_space<vmem>> -> memref<32xi32, #tpu.memory_space<vmem>>
    %dma_wait3A_273 = arith.constant 0 : i32
    %dma_wait3A_274 = arith.constant 0 : i32
    %dma_wait3A_275 = tpu.memref_slice %arg3[%dma_wait3A_273, %dma_wait3A_274] : memref<100000x768xf32, #tpu.memory_space<hbm>> -> memref<100000x768xf32, #tpu.memory_space<hbm>>
    tpu.wait_indirect_dma semaphore(%arg11 : memref<!tpu.dma_semaphore, #tpu.memory_space<semaphore_mem>>) src(%dma_wait3A_275 : memref<100000x768xf32, #tpu.memory_space<hbm>>) dst(%dma_wait3A_270 : memref<32x768xf32, #tpu.memory_space<vmem>>)
    %add3A_276 = arith.constant 128 : i32
    %add3A_277 = arith.addi %mul3A_32, %add3A_276 : i32
    %dma_start3A_278 = arith.constant 4 : i32
    %dma_start3A_279 = arith.constant 0 : i32
    %dma_start3A_280 = arith.constant 0 : i32
    %dma_start3A_281 = tpu.memref_slice %arg6[%dma_start3A_278, %dma_start3A_279, %dma_start3A_280] : memref<5x32x768xf32, #tpu.memory_space<vmem>> -> memref<1x32x768xf32, #tpu.memory_space<vmem>>
    %dma_start3A_282 = tpu.memref_squeeze %dma_start3A_281 : memref<1x32x768xf32, #tpu.memory_space<vmem>> -> memref<32x768xf32, #tpu.memory_space<vmem>>
    %dma_start3A_283 = arith.constant 0 : i32
    %dma_start3A_284 = tpu.memref_slice %arg4[%select_n3A, %add3A_277, %dma_start3A_283] : memref<4x2048x768xf32, #tpu.memory_space<hbm>> -> memref<1x32x768xf32, #tpu.memory_space<hbm>>
    %dma_start3A_285 = tpu.memref_squeeze %dma_start3A_284 : memref<1x32x768xf32, #tpu.memory_space<hbm>> -> memref<32x768xf32, #tpu.memory_space<hbm>>
    %dma_start3A_286 = arith.constant 0 : i32
    %dma_start3A_287 = tpu.memref_slice %arg4[%select_n3A, %add3A_277, %dma_start3A_286] : memref<4x2048x768xf32, #tpu.memory_space<hbm>> -> memref<1x32x768xf32, #tpu.memory_space<hbm>>
    %dma_start3A_288 = tpu.memref_squeeze %dma_start3A_287 : memref<1x32x768xf32, #tpu.memory_space<hbm>> -> memref<32x768xf32, #tpu.memory_space<hbm>>
    %dma_start3A_289 = arith.constant 0 : i32
    %dma_start3A_290 = arith.constant 0 : i32
    %dma_start3A_291 = tpu.memref_slice %arg6[%dma_start3A_278, %dma_start3A_289, %dma_start3A_290] : memref<5x32x768xf32, #tpu.memory_space<vmem>> -> memref<1x32x768xf32, #tpu.memory_space<vmem>>
    %dma_start3A_292 = tpu.memref_squeeze %dma_start3A_291 : memref<1x32x768xf32, #tpu.memory_space<vmem>> -> memref<32x768xf32, #tpu.memory_space<vmem>>
    tpu.enqueue_dma source(%dma_start3A_292 : memref<32x768xf32, #tpu.memory_space<vmem>>) target(%dma_start3A_288 : memref<32x768xf32, #tpu.memory_space<hbm>>) target_semaphore(%arg16 : memref<!tpu.dma_semaphore, #tpu.memory_space<semaphore_mem>>)
    %dma_wait3A_293 = arith.constant 0 : i32
    %dma_wait3A_294 = arith.constant 0 : i32
    %dma_wait3A_295 = arith.constant 0 : i32
    %dma_wait3A_296 = tpu.memref_slice %arg6[%dma_wait3A_293, %dma_wait3A_294, %dma_wait3A_295] : memref<5x32x768xf32, #tpu.memory_space<vmem>> -> memref<1x32x768xf32, #tpu.memory_space<vmem>>
    %dma_wait3A_297 = tpu.memref_squeeze %dma_wait3A_296 : memref<1x32x768xf32, #tpu.memory_space<vmem>> -> memref<32x768xf32, #tpu.memory_space<vmem>>
    %dma_wait3A_298 = arith.constant 160 : i32
    %dma_wait3A_299 = tpu.memref_slice %arg5[%dma_wait3A_298] : memref<256xi32, #tpu.memory_space<vmem>> -> memref<32xi32, #tpu.memory_space<vmem>>
    %dma_wait3A_300 = arith.constant 0 : i32
    %dma_wait3A_301 = arith.constant 0 : i32
    %dma_wait3A_302 = tpu.memref_slice %arg3[%dma_wait3A_300, %dma_wait3A_301] : memref<100000x768xf32, #tpu.memory_space<hbm>> -> memref<100000x768xf32, #tpu.memory_space<hbm>>
    tpu.wait_indirect_dma semaphore(%arg7 : memref<!tpu.dma_semaphore, #tpu.memory_space<semaphore_mem>>) src(%dma_wait3A_302 : memref<100000x768xf32, #tpu.memory_space<hbm>>) dst(%dma_wait3A_297 : memref<32x768xf32, #tpu.memory_space<vmem>>)
    %add3A_303 = arith.constant 160 : i32
    %add3A_304 = arith.addi %mul3A_32, %add3A_303 : i32
    %dma_start3A_305 = arith.constant 0 : i32
    %dma_start3A_306 = arith.constant 0 : i32
    %dma_start3A_307 = arith.constant 0 : i32
    %dma_start3A_308 = tpu.memref_slice %arg6[%dma_start3A_305, %dma_start3A_306, %dma_start3A_307] : memref<5x32x768xf32, #tpu.memory_space<vmem>> -> memref<1x32x768xf32, #tpu.memory_space<vmem>>
    %dma_start3A_309 = tpu.memref_squeeze %dma_start3A_308 : memref<1x32x768xf32, #tpu.memory_space<vmem>> -> memref<32x768xf32, #tpu.memory_space<vmem>>
    %dma_start3A_310 = arith.constant 0 : i32
    %dma_start3A_311 = tpu.memref_slice %arg4[%select_n3A, %add3A_304, %dma_start3A_310] : memref<4x2048x768xf32, #tpu.memory_space<hbm>> -> memref<1x32x768xf32, #tpu.memory_space<hbm>>
    %dma_start3A_312 = tpu.memref_squeeze %dma_start3A_311 : memref<1x32x768xf32, #tpu.memory_space<hbm>> -> memref<32x768xf32, #tpu.memory_space<hbm>>
    %dma_start3A_313 = arith.constant 0 : i32
    %dma_start3A_314 = tpu.memref_slice %arg4[%select_n3A, %add3A_304, %dma_start3A_313] : memref<4x2048x768xf32, #tpu.memory_space<hbm>> -> memref<1x32x768xf32, #tpu.memory_space<hbm>>
    %dma_start3A_315 = tpu.memref_squeeze %dma_start3A_314 : memref<1x32x768xf32, #tpu.memory_space<hbm>> -> memref<32x768xf32, #tpu.memory_space<hbm>>
    %dma_start3A_316 = arith.constant 0 : i32
    %dma_start3A_317 = arith.constant 0 : i32
    %dma_start3A_318 = tpu.memref_slice %arg6[%dma_start3A_305, %dma_start3A_316, %dma_start3A_317] : memref<5x32x768xf32, #tpu.memory_space<vmem>> -> memref<1x32x768xf32, #tpu.memory_space<vmem>>
    %dma_start3A_319 = tpu.memref_squeeze %dma_start3A_318 : memref<1x32x768xf32, #tpu.memory_space<vmem>> -> memref<32x768xf32, #tpu.memory_space<vmem>>
    tpu.enqueue_dma source(%dma_start3A_319 : memref<32x768xf32, #tpu.memory_space<vmem>>) target(%dma_start3A_315 : memref<32x768xf32, #tpu.memory_space<hbm>>) target_semaphore(%arg12 : memref<!tpu.dma_semaphore, #tpu.memory_space<semaphore_mem>>)
    %dma_wait3A_320 = arith.constant 1 : i32
    %dma_wait3A_321 = arith.constant 0 : i32
    %dma_wait3A_322 = arith.constant 0 : i32
    %dma_wait3A_323 = tpu.memref_slice %arg6[%dma_wait3A_320, %dma_wait3A_321, %dma_wait3A_322] : memref<5x32x768xf32, #tpu.memory_space<vmem>> -> memref<1x32x768xf32, #tpu.memory_space<vmem>>
    %dma_wait3A_324 = tpu.memref_squeeze %dma_wait3A_323 : memref<1x32x768xf32, #tpu.memory_space<vmem>> -> memref<32x768xf32, #tpu.memory_space<vmem>>
    %dma_wait3A_325 = arith.constant 192 : i32
    %dma_wait3A_326 = tpu.memref_slice %arg5[%dma_wait3A_325] : memref<256xi32, #tpu.memory_space<vmem>> -> memref<32xi32, #tpu.memory_space<vmem>>
    %dma_wait3A_327 = arith.constant 0 : i32
    %dma_wait3A_328 = arith.constant 0 : i32
    %dma_wait3A_329 = tpu.memref_slice %arg3[%dma_wait3A_327, %dma_wait3A_328] : memref<100000x768xf32, #tpu.memory_space<hbm>> -> memref<100000x768xf32, #tpu.memory_space<hbm>>
    tpu.wait_indirect_dma semaphore(%arg8 : memref<!tpu.dma_semaphore, #tpu.memory_space<semaphore_mem>>) src(%dma_wait3A_329 : memref<100000x768xf32, #tpu.memory_space<hbm>>) dst(%dma_wait3A_324 : memref<32x768xf32, #tpu.memory_space<vmem>>)
    %add3A_330 = arith.constant 192 : i32
    %add3A_331 = arith.addi %mul3A_32, %add3A_330 : i32
    %dma_start3A_332 = arith.constant 1 : i32
    %dma_start3A_333 = arith.constant 0 : i32
    %dma_start3A_334 = arith.constant 0 : i32
    %dma_start3A_335 = tpu.memref_slice %arg6[%dma_start3A_332, %dma_start3A_333, %dma_start3A_334] : memref<5x32x768xf32, #tpu.memory_space<vmem>> -> memref<1x32x768xf32, #tpu.memory_space<vmem>>
    %dma_start3A_336 = tpu.memref_squeeze %dma_start3A_335 : memref<1x32x768xf32, #tpu.memory_space<vmem>> -> memref<32x768xf32, #tpu.memory_space<vmem>>
    %dma_start3A_337 = arith.constant 0 : i32
    %dma_start3A_338 = tpu.memref_slice %arg4[%select_n3A, %add3A_331, %dma_start3A_337] : memref<4x2048x768xf32, #tpu.memory_space<hbm>> -> memref<1x32x768xf32, #tpu.memory_space<hbm>>
    %dma_start3A_339 = tpu.memref_squeeze %dma_start3A_338 : memref<1x32x768xf32, #tpu.memory_space<hbm>> -> memref<32x768xf32, #tpu.memory_space<hbm>>
    %dma_start3A_340 = arith.constant 0 : i32
    %dma_start3A_341 = tpu.memref_slice %arg4[%select_n3A, %add3A_331, %dma_start3A_340] : memref<4x2048x768xf32, #tpu.memory_space<hbm>> -> memref<1x32x768xf32, #tpu.memory_space<hbm>>
    %dma_start3A_342 = tpu.memref_squeeze %dma_start3A_341 : memref<1x32x768xf32, #tpu.memory_space<hbm>> -> memref<32x768xf32, #tpu.memory_space<hbm>>
    %dma_start3A_343 = arith.constant 0 : i32
    %dma_start3A_344 = arith.constant 0 : i32
    %dma_start3A_345 = tpu.memref_slice %arg6[%dma_start3A_332, %dma_start3A_343, %dma_start3A_344] : memref<5x32x768xf32, #tpu.memory_space<vmem>> -> memref<1x32x768xf32, #tpu.memory_space<vmem>>
    %dma_start3A_346 = tpu.memref_squeeze %dma_start3A_345 : memref<1x32x768xf32, #tpu.memory_space<vmem>> -> memref<32x768xf32, #tpu.memory_space<vmem>>
    tpu.enqueue_dma source(%dma_start3A_346 : memref<32x768xf32, #tpu.memory_space<vmem>>) target(%dma_start3A_342 : memref<32x768xf32, #tpu.memory_space<hbm>>) target_semaphore(%arg13 : memref<!tpu.dma_semaphore, #tpu.memory_space<semaphore_mem>>)
    %dma_wait3A_347 = arith.constant 2 : i32
    %dma_wait3A_348 = arith.constant 0 : i32
    %dma_wait3A_349 = arith.constant 0 : i32
    %dma_wait3A_350 = tpu.memref_slice %arg6[%dma_wait3A_347, %dma_wait3A_348, %dma_wait3A_349] : memref<5x32x768xf32, #tpu.memory_space<vmem>> -> memref<1x32x768xf32, #tpu.memory_space<vmem>>
    %dma_wait3A_351 = tpu.memref_squeeze %dma_wait3A_350 : memref<1x32x768xf32, #tpu.memory_space<vmem>> -> memref<32x768xf32, #tpu.memory_space<vmem>>
    %dma_wait3A_352 = arith.constant 224 : i32
    %dma_wait3A_353 = tpu.memref_slice %arg5[%dma_wait3A_352] : memref<256xi32, #tpu.memory_space<vmem>> -> memref<32xi32, #tpu.memory_space<vmem>>
    %dma_wait3A_354 = arith.constant 0 : i32
    %dma_wait3A_355 = arith.constant 0 : i32
    %dma_wait3A_356 = tpu.memref_slice %arg3[%dma_wait3A_354, %dma_wait3A_355] : memref<100000x768xf32, #tpu.memory_space<hbm>> -> memref<100000x768xf32, #tpu.memory_space<hbm>>
    tpu.wait_indirect_dma semaphore(%arg9 : memref<!tpu.dma_semaphore, #tpu.memory_space<semaphore_mem>>) src(%dma_wait3A_356 : memref<100000x768xf32, #tpu.memory_space<hbm>>) dst(%dma_wait3A_351 : memref<32x768xf32, #tpu.memory_space<vmem>>)
    %add3A_357 = arith.constant 224 : i32
    %add3A_358 = arith.addi %mul3A_32, %add3A_357 : i32
    %dma_start3A_359 = arith.constant 2 : i32
    %dma_start3A_360 = arith.constant 0 : i32
    %dma_start3A_361 = arith.constant 0 : i32
    %dma_start3A_362 = tpu.memref_slice %arg6[%dma_start3A_359, %dma_start3A_360, %dma_start3A_361] : memref<5x32x768xf32, #tpu.memory_space<vmem>> -> memref<1x32x768xf32, #tpu.memory_space<vmem>>
    %dma_start3A_363 = tpu.memref_squeeze %dma_start3A_362 : memref<1x32x768xf32, #tpu.memory_space<vmem>> -> memref<32x768xf32, #tpu.memory_space<vmem>>
    %dma_start3A_364 = arith.constant 0 : i32
    %dma_start3A_365 = tpu.memref_slice %arg4[%select_n3A, %add3A_358, %dma_start3A_364] : memref<4x2048x768xf32, #tpu.memory_space<hbm>> -> memref<1x32x768xf32, #tpu.memory_space<hbm>>
    %dma_start3A_366 = tpu.memref_squeeze %dma_start3A_365 : memref<1x32x768xf32, #tpu.memory_space<hbm>> -> memref<32x768xf32, #tpu.memory_space<hbm>>
    %dma_start3A_367 = arith.constant 0 : i32
    %dma_start3A_368 = tpu.memref_slice %arg4[%select_n3A, %add3A_358, %dma_start3A_367] : memref<4x2048x768xf32, #tpu.memory_space<hbm>> -> memref<1x32x768xf32, #tpu.memory_space<hbm>>
    %dma_start3A_369 = tpu.memref_squeeze %dma_start3A_368 : memref<1x32x768xf32, #tpu.memory_space<hbm>> -> memref<32x768xf32, #tpu.memory_space<hbm>>
    %dma_start3A_370 = arith.constant 0 : i32
    %dma_start3A_371 = arith.constant 0 : i32
    %dma_start3A_372 = tpu.memref_slice %arg6[%dma_start3A_359, %dma_start3A_370, %dma_start3A_371] : memref<5x32x768xf32, #tpu.memory_space<vmem>> -> memref<1x32x768xf32, #tpu.memory_space<vmem>>
    %dma_start3A_373 = tpu.memref_squeeze %dma_start3A_372 : memref<1x32x768xf32, #tpu.memory_space<vmem>> -> memref<32x768xf32, #tpu.memory_space<vmem>>
    tpu.enqueue_dma source(%dma_start3A_373 : memref<32x768xf32, #tpu.memory_space<vmem>>) target(%dma_start3A_369 : memref<32x768xf32, #tpu.memory_space<hbm>>) target_semaphore(%arg14 : memref<!tpu.dma_semaphore, #tpu.memory_space<semaphore_mem>>)
    %dma_wait3A_374 = arith.constant 3 : i32
    %dma_wait3A_375 = arith.constant 0 : i32
    %dma_wait3A_376 = arith.constant 0 : i32
    %dma_wait3A_377 = tpu.memref_slice %arg6[%dma_wait3A_374, %dma_wait3A_375, %dma_wait3A_376] : memref<5x32x768xf32, #tpu.memory_space<vmem>> -> memref<1x32x768xf32, #tpu.memory_space<vmem>>
    %dma_wait3A_378 = tpu.memref_squeeze %dma_wait3A_377 : memref<1x32x768xf32, #tpu.memory_space<vmem>> -> memref<32x768xf32, #tpu.memory_space<vmem>>
    %dma_wait3A_379 = arith.constant 0 : i32
    %dma_wait3A_380 = tpu.memref_slice %arg4[%select_n3A, %add3A_250, %dma_wait3A_379] : memref<4x2048x768xf32, #tpu.memory_space<hbm>> -> memref<1x32x768xf32, #tpu.memory_space<hbm>>
    %dma_wait3A_381 = tpu.memref_squeeze %dma_wait3A_380 : memref<1x32x768xf32, #tpu.memory_space<hbm>> -> memref<32x768xf32, #tpu.memory_space<hbm>>
    %dma_wait3A_382 = arith.constant 0 : i32
    %dma_wait3A_383 = tpu.memref_slice %arg4[%select_n3A, %add3A_250, %dma_wait3A_382] : memref<4x2048x768xf32, #tpu.memory_space<hbm>> -> memref<1x32x768xf32, #tpu.memory_space<hbm>>
    %dma_wait3A_384 = tpu.memref_squeeze %dma_wait3A_383 : memref<1x32x768xf32, #tpu.memory_space<hbm>> -> memref<32x768xf32, #tpu.memory_space<hbm>>
    %dma_wait3A_385 = arith.constant 0 : i32
    %dma_wait3A_386 = arith.constant 0 : i32
    %dma_wait3A_387 = tpu.memref_slice %arg6[%dma_wait3A_374, %dma_wait3A_385, %dma_wait3A_386] : memref<5x32x768xf32, #tpu.memory_space<vmem>> -> memref<1x32x768xf32, #tpu.memory_space<vmem>>
    %dma_wait3A_388 = tpu.memref_squeeze %dma_wait3A_387 : memref<1x32x768xf32, #tpu.memory_space<vmem>> -> memref<32x768xf32, #tpu.memory_space<vmem>>
    tpu.wait_dma2 semaphore(%arg15 : memref<!tpu.dma_semaphore, #tpu.memory_space<semaphore_mem>>) src(%dma_wait3A_388 : memref<32x768xf32, #tpu.memory_space<vmem>>) dst(%dma_wait3A_384 : memref<32x768xf32, #tpu.memory_space<hbm>>)
    %dma_wait3A_389 = arith.constant 4 : i32
    %dma_wait3A_390 = arith.constant 0 : i32
    %dma_wait3A_391 = arith.constant 0 : i32
    %dma_wait3A_392 = tpu.memref_slice %arg6[%dma_wait3A_389, %dma_wait3A_390, %dma_wait3A_391] : memref<5x32x768xf32, #tpu.memory_space<vmem>> -> memref<1x32x768xf32, #tpu.memory_space<vmem>>
    %dma_wait3A_393 = tpu.memref_squeeze %dma_wait3A_392 : memref<1x32x768xf32, #tpu.memory_space<vmem>> -> memref<32x768xf32, #tpu.memory_space<vmem>>
    %dma_wait3A_394 = arith.constant 0 : i32
    %dma_wait3A_395 = tpu.memref_slice %arg4[%select_n3A, %add3A_277, %dma_wait3A_394] : memref<4x2048x768xf32, #tpu.memory_space<hbm>> -> memref<1x32x768xf32, #tpu.memory_space<hbm>>
    %dma_wait3A_396 = tpu.memref_squeeze %dma_wait3A_395 : memref<1x32x768xf32, #tpu.memory_space<hbm>> -> memref<32x768xf32, #tpu.memory_space<hbm>>
    %dma_wait3A_397 = arith.constant 0 : i32
    %dma_wait3A_398 = tpu.memref_slice %arg4[%select_n3A, %add3A_277, %dma_wait3A_397] : memref<4x2048x768xf32, #tpu.memory_space<hbm>> -> memref<1x32x768xf32, #tpu.memory_space<hbm>>
    %dma_wait3A_399 = tpu.memref_squeeze %dma_wait3A_398 : memref<1x32x768xf32, #tpu.memory_space<hbm>> -> memref<32x768xf32, #tpu.memory_space<hbm>>
    %dma_wait3A_400 = arith.constant 0 : i32
    %dma_wait3A_401 = arith.constant 0 : i32
    %dma_wait3A_402 = tpu.memref_slice %arg6[%dma_wait3A_389, %dma_wait3A_400, %dma_wait3A_401] : memref<5x32x768xf32, #tpu.memory_space<vmem>> -> memref<1x32x768xf32, #tpu.memory_space<vmem>>
    %dma_wait3A_403 = tpu.memref_squeeze %dma_wait3A_402 : memref<1x32x768xf32, #tpu.memory_space<vmem>> -> memref<32x768xf32, #tpu.memory_space<vmem>>
    tpu.wait_dma2 semaphore(%arg16 : memref<!tpu.dma_semaphore, #tpu.memory_space<semaphore_mem>>) src(%dma_wait3A_403 : memref<32x768xf32, #tpu.memory_space<vmem>>) dst(%dma_wait3A_399 : memref<32x768xf32, #tpu.memory_space<hbm>>)
    %dma_wait3A_404 = arith.constant 0 : i32
    %dma_wait3A_405 = arith.constant 0 : i32
    %dma_wait3A_406 = arith.constant 0 : i32
    %dma_wait3A_407 = tpu.memref_slice %arg6[%dma_wait3A_404, %dma_wait3A_405, %dma_wait3A_406] : memref<5x32x768xf32, #tpu.memory_space<vmem>> -> memref<1x32x768xf32, #tpu.memory_space<vmem>>
    %dma_wait3A_408 = tpu.memref_squeeze %dma_wait3A_407 : memref<1x32x768xf32, #tpu.memory_space<vmem>> -> memref<32x768xf32, #tpu.memory_space<vmem>>
    %dma_wait3A_409 = arith.constant 0 : i32
    %dma_wait3A_410 = tpu.memref_slice %arg4[%select_n3A, %add3A_304, %dma_wait3A_409] : memref<4x2048x768xf32, #tpu.memory_space<hbm>> -> memref<1x32x768xf32, #tpu.memory_space<hbm>>
    %dma_wait3A_411 = tpu.memref_squeeze %dma_wait3A_410 : memref<1x32x768xf32, #tpu.memory_space<hbm>> -> memref<32x768xf32, #tpu.memory_space<hbm>>
    %dma_wait3A_412 = arith.constant 0 : i32
    %dma_wait3A_413 = tpu.memref_slice %arg4[%select_n3A, %add3A_304, %dma_wait3A_412] : memref<4x2048x768xf32, #tpu.memory_space<hbm>> -> memref<1x32x768xf32, #tpu.memory_space<hbm>>
    %dma_wait3A_414 = tpu.memref_squeeze %dma_wait3A_413 : memref<1x32x768xf32, #tpu.memory_space<hbm>> -> memref<32x768xf32, #tpu.memory_space<hbm>>
    %dma_wait3A_415 = arith.constant 0 : i32
    %dma_wait3A_416 = arith.constant 0 : i32
    %dma_wait3A_417 = tpu.memref_slice %arg6[%dma_wait3A_404, %dma_wait3A_415, %dma_wait3A_416] : memref<5x32x768xf32, #tpu.memory_space<vmem>> -> memref<1x32x768xf32, #tpu.memory_space<vmem>>
    %dma_wait3A_418 = tpu.memref_squeeze %dma_wait3A_417 : memref<1x32x768xf32, #tpu.memory_space<vmem>> -> memref<32x768xf32, #tpu.memory_space<vmem>>
    tpu.wait_dma2 semaphore(%arg12 : memref<!tpu.dma_semaphore, #tpu.memory_space<semaphore_mem>>) src(%dma_wait3A_418 : memref<32x768xf32, #tpu.memory_space<vmem>>) dst(%dma_wait3A_414 : memref<32x768xf32, #tpu.memory_space<hbm>>)
    %dma_wait3A_419 = arith.constant 1 : i32
    %dma_wait3A_420 = arith.constant 0 : i32
    %dma_wait3A_421 = arith.constant 0 : i32
    %dma_wait3A_422 = tpu.memref_slice %arg6[%dma_wait3A_419, %dma_wait3A_420, %dma_wait3A_421] : memref<5x32x768xf32, #tpu.memory_space<vmem>> -> memref<1x32x768xf32, #tpu.memory_space<vmem>>
    %dma_wait3A_423 = tpu.memref_squeeze %dma_wait3A_422 : memref<1x32x768xf32, #tpu.memory_space<vmem>> -> memref<32x768xf32, #tpu.memory_space<vmem>>
    %dma_wait3A_424 = arith.constant 0 : i32
    %dma_wait3A_425 = tpu.memref_slice %arg4[%select_n3A, %add3A_331, %dma_wait3A_424] : memref<4x2048x768xf32, #tpu.memory_space<hbm>> -> memref<1x32x768xf32, #tpu.memory_space<hbm>>
    %dma_wait3A_426 = tpu.memref_squeeze %dma_wait3A_425 : memref<1x32x768xf32, #tpu.memory_space<hbm>> -> memref<32x768xf32, #tpu.memory_space<hbm>>
    %dma_wait3A_427 = arith.constant 0 : i32
    %dma_wait3A_428 = tpu.memref_slice %arg4[%select_n3A, %add3A_331, %dma_wait3A_427] : memref<4x2048x768xf32, #tpu.memory_space<hbm>> -> memref<1x32x768xf32, #tpu.memory_space<hbm>>
    %dma_wait3A_429 = tpu.memref_squeeze %dma_wait3A_428 : memref<1x32x768xf32, #tpu.memory_space<hbm>> -> memref<32x768xf32, #tpu.memory_space<hbm>>
    %dma_wait3A_430 = arith.constant 0 : i32
    %dma_wait3A_431 = arith.constant 0 : i32
    %dma_wait3A_432 = tpu.memref_slice %arg6[%dma_wait3A_419, %dma_wait3A_430, %dma_wait3A_431] : memref<5x32x768xf32, #tpu.memory_space<vmem>> -> memref<1x32x768xf32, #tpu.memory_space<vmem>>
    %dma_wait3A_433 = tpu.memref_squeeze %dma_wait3A_432 : memref<1x32x768xf32, #tpu.memory_space<vmem>> -> memref<32x768xf32, #tpu.memory_space<vmem>>
    tpu.wait_dma2 semaphore(%arg13 : memref<!tpu.dma_semaphore, #tpu.memory_space<semaphore_mem>>) src(%dma_wait3A_433 : memref<32x768xf32, #tpu.memory_space<vmem>>) dst(%dma_wait3A_429 : memref<32x768xf32, #tpu.memory_space<hbm>>)
    %dma_wait3A_434 = arith.constant 2 : i32
    %dma_wait3A_435 = arith.constant 0 : i32
    %dma_wait3A_436 = arith.constant 0 : i32
    %dma_wait3A_437 = tpu.memref_slice %arg6[%dma_wait3A_434, %dma_wait3A_435, %dma_wait3A_436] : memref<5x32x768xf32, #tpu.memory_space<vmem>> -> memref<1x32x768xf32, #tpu.memory_space<vmem>>
    %dma_wait3A_438 = tpu.memref_squeeze %dma_wait3A_437 : memref<1x32x768xf32, #tpu.memory_space<vmem>> -> memref<32x768xf32, #tpu.memory_space<vmem>>
    %dma_wait3A_439 = arith.constant 0 : i32
    %dma_wait3A_440 = tpu.memref_slice %arg4[%select_n3A, %add3A_358, %dma_wait3A_439] : memref<4x2048x768xf32, #tpu.memory_space<hbm>> -> memref<1x32x768xf32, #tpu.memory_space<hbm>>
    %dma_wait3A_441 = tpu.memref_squeeze %dma_wait3A_440 : memref<1x32x768xf32, #tpu.memory_space<hbm>> -> memref<32x768xf32, #tpu.memory_space<hbm>>
    %dma_wait3A_442 = arith.constant 0 : i32
    %dma_wait3A_443 = tpu.memref_slice %arg4[%select_n3A, %add3A_358, %dma_wait3A_442] : memref<4x2048x768xf32, #tpu.memory_space<hbm>> -> memref<1x32x768xf32, #tpu.memory_space<hbm>>
    %dma_wait3A_444 = tpu.memref_squeeze %dma_wait3A_443 : memref<1x32x768xf32, #tpu.memory_space<hbm>> -> memref<32x768xf32, #tpu.memory_space<hbm>>
    %dma_wait3A_445 = arith.constant 0 : i32
    %dma_wait3A_446 = arith.constant 0 : i32
    %dma_wait3A_447 = tpu.memref_slice %arg6[%dma_wait3A_434, %dma_wait3A_445, %dma_wait3A_446] : memref<5x32x768xf32, #tpu.memory_space<vmem>> -> memref<1x32x768xf32, #tpu.memory_space<vmem>>
    %dma_wait3A_448 = tpu.memref_squeeze %dma_wait3A_447 : memref<1x32x768xf32, #tpu.memory_space<vmem>> -> memref<32x768xf32, #tpu.memory_space<vmem>>
    tpu.wait_dma2 semaphore(%arg14 : memref<!tpu.dma_semaphore, #tpu.memory_space<semaphore_mem>>) src(%dma_wait3A_448 : memref<32x768xf32, #tpu.memory_space<vmem>>) dst(%dma_wait3A_444 : memref<32x768xf32, #tpu.memory_space<hbm>>)
    return
  }
}

</mosaic_0001>

<sc_bundles>
// kernel: kernel.3.cloned.1.call-start
scs
__scs_entry_jumppad:
0x0: {  	(pc) =	sbr.rel $0x88, $3  }
0x1: {  	(tag) =	ssettag $0x0;
	lr =	simm.s32 $0x1  }
0x2: {  	[smem:$0x3F9F] =	sst lr;
	_ =	strace $0xD0000000  }
0x3: {  	_ = 	snop  }
0x4: {  	_ = 	snop  }
0x5: {  	_ = 	snop  }
0x6: {  	_ = 	snop  }
0x7: {  	_ = 	snop  }
__scs_overlays_trampoline_lowered:
0x8: {  	[smem:$0x3FAE] =	sst s0  }
0x9: {  	[smem:$0x3FAF] =	sst s1  }
0xa: {  	[smem:$0x3FB0] =	sst s2  }
0xb: {  	[smem:$0x3FB1] =	sst s3  }
0xc: {  	[smem:$0x3FB2] =	sst s4  }
0xd: {  	[smem:$0x3FB3] =	sst s5  }
0xe: {  	[smem:$0x3FB4] =	sst s6  }
0xf: {  	[smem:$0x3FB5] =	sst s7  }
0x10: {  	[smem:$0x3FB6] =	sst s8  }
0x11: {  	[smem:$0x3FB7] =	sst s9;
	s0 =	simm.s32 @!p0 $0x0  }
0x12: {  	s1 =	sld [smem:$0x3F9D];
	s0 =	simm.s32 @p0 $0x1  }
0x13: {  	[smem:$0x3FB8] =	sst s0;
	s0 =	simm.s32 @!p1 $0x0  }
0x14: {  	s2 =	sld [smem:$0x3F9C];
	s0 =	simm.s32 @p1 $0x1  }
0x15: {  	[smem:$0x3FB9] =	sst s0;
	s0 =	simm.s32 @!p2 $0x0  }
0x16: {  	s3 =	sld [smem:$0x3FDB];
	s0 =	simm.s32 @p2 $0x1  }
0x17: {  	s4 =	simm.s32 $0x1BF5;
	[smem:$0x3FBB] =	sst s0  }
0x18: {  	s0 =	sld [smem:$0x3F9E];
	_ =	swait.ge [sflag:s4], $0x0  }
0x19: {  	s7 =	sld [smem:$0x3F9F]  }
0x1a: {  	s8 =	sadd.s32 $0xFFFFE003, lr  }
0x1b: {  	s9 =	sadd.s32 $0xFFFFFEF7, lr;
	s5 =	simm.s32 $0xFFFFFFFF;
	p2 =	slt.u32 s8, $0xFFFFF086  }
0x1c: {  	p1 =	slt.u32 s9, $0xF7A;
	s5 =	simm.s32 @!p2 $0x0  }
0x1d: {  	s5 =	simm.s32 @p1 $0x1;
	p0 =	seq.s32 s7, s2  }
0x1e: {  	s7 =	smul.u32 @!p0 $0xF7A, s2;
	p2 =	seq.s32 @!p0 s5, $0x0  }
0x1f: {  	s9 =	smul.u32 $0xF7A, s1;
	s8 =	simm.s32 @!p0 $0x1BF5;
	p2 =	por !p2, p0  }
0x20: {  	[sflag:s8] =	ssyncset.s32 @!p0 $0xFFFFF086;
	s6 =	sadd.s32 @!p0 s3, s7;
	s7 =	simm.s32 @!p0 $0x108  }
0x21: {  	s3 =	sadd.s32 s3, s9;
	s6 =	sadd.s32 @!p0 $0x88, s6;
	s7 =	simm.s32 @p2 $0x1082  }
0x22: {  	[simem:s7], [sflag:s8] =	dma.local @!p0 [hbm:s6], $0xF7A  }
0x23: {  	s9 =	sor.u32 $0xD0000000, s2;
	s6 =	simm.s32 $0x108;
	_ =	swait.ge @!p0 [sflag:s8], $0x0  }
0x24: {  	s3 =	sadd.s32 $0x88, s3;
	s6 =	simm.s32 @!p1 $0x1082;
	[sflag:s4] =	ssyncset.s32 $0xFFFFF086  }
0x25: {  	[simem:s6], [sflag:s4] =	dma.local [hbm:s3], $0xF7A  }
0x26: {  	[smem:$0x3F9F] =	sst s1;
	(tag) =	ssettag s2;
	_ =	strace s9  }
0x27: {  	s1 =	sld [smem:$0x3FAF]  }
0x28: {  	s2 =	sld [smem:$0x3FB0]  }
0x29: {  	s4 =	sld [smem:$0x3FB2]  }
0x2a: {  	p0 =	seq.s32 s5, $0x0;
	s5 =	sld [smem:$0x3FB3]  }
0x2b: {  	s6 =	sld [smem:$0x3FB4]  }
0x2c: {  	s7 =	sld [smem:$0x3FB5]  }
0x2d: {  	s3 =	simm.s32 $0x108;
	s8 =	sld [smem:$0x3FB6]  }
0x2e: {  	s3 =	simm.s32 @!p0 $0x1082;
	s9 =	sld [smem:$0x3FB7]  }
0x2f: {  	lr =	sadd.s32 s0, s3;
	s0 =	sld [smem:$0x3FAE]  }
0x30: {  	s3 =	sld [smem:$0x3FB1]  }
0x31: {  	[smem:$0x3FBA] =	sst s10  }
0x32: {  	s10 =	sld [smem:$0x3FB8];
	_ =	sdelay $0x3  }
0x33: {  	p0 =	seq.s32 s10, $0x1;
	s10 =	sld [smem:$0x3FBA];
	_ =	sdelay $0x3  }
0x34: {  	[smem:$0x3FBA] =	sst s10  }
0x35: {  	s10 =	sld [smem:$0x3FB9];
	_ =	sdelay $0x3  }
0x36: {  	p1 =	seq.s32 s10, $0x1;
	s10 =	sld [smem:$0x3FBA];
	_ =	sdelay $0x3  }
0x37: {  	[smem:$0x3FBA] =	sst s10  }
0x38: {  	s10 =	sld [smem:$0x3FBB]  }
0x39: {  	_ = 	snop;
	(pc) =	sbr.ind lr, $3  }
0x3a: {  	_ = 	snop  }
0x3b: {  	_ = 	snop  }
0x3c: {  	p2 =	seq.s32 s10, $0x1;
	s10 =	sld [smem:$0x3FBA]  }
0x3d: {  	_ =	shalt  }
0x3e: {  	_ =	shalt  }
0x3f: {  	_ =	shalt  }
0x40: {  	_ =	shalt  }
0x41: {  	_ =	shalt  }
0x42: {  	_ =	shalt  }
0x43: {  	_ =	shalt  }
0x44: {  	_ =	shalt  }
0x45: {  	_ =	shalt  }
0x46: {  	_ =	shalt  }
0x47: {  	_ =	shalt  }
0x48: {  	_ =	shalt  }
0x49: {  	_ =	shalt  }
0x4a: {  	_ =	shalt  }
0x4b: {  	_ =	shalt  }
0x4c: {  	_ =	shalt  }
0x4d: {  	_ =	shalt  }
0x4e: {  	_ =	shalt  }
0x4f: {  	_ =	shalt  }
0x50: {  	_ =	shalt  }
0x51: {  	_ =	shalt  }
0x52: {  	_ =	shalt  }
0x53: {  	_ =	shalt  }
0x54: {  	_ =	shalt  }
0x55: {  	_ =	shalt  }
0x56: {  	_ =	shalt  }
0x57: {  	_ =	shalt  }
0x58: {  	_ =	shalt  }
0x59: {  	_ =	shalt  }
0x5a: {  	_ =	shalt  }
0x5b: {  	_ =	shalt  }
0x5c: {  	_ =	shalt  }
0x5d: {  	_ =	shalt  }
0x5e: {  	_ =	shalt  }
0x5f: {  	_ =	shalt  }
0x60: {  	_ =	shalt  }
0x61: {  	_ =	shalt  }
0x62: {  	_ =	shalt  }
0x63: {  	_ =	shalt  }
0x64: {  	_ =	shalt  }
0x65: {  	_ =	shalt  }
0x66: {  	_ =	shalt  }
0x67: {  	_ =	shalt  }
0x68: {  	_ =	shalt  }
0x69: {  	_ =	shalt  }
0x6a: {  	_ =	shalt  }
0x6b: {  	_ =	shalt  }
0x6c: {  	_ =	shalt  }
0x6d: {  	_ =	shalt  }
0x6e: {  	_ =	shalt  }
0x6f: {  	_ =	shalt  }
0x70: {  	_ =	shalt  }
0x71: {  	_ =	shalt  }
0x72: {  	_ =	shalt  }
0x73: {  	_ =	shalt  }
0x74: {  	_ =	shalt  }
0x75: {  	_ =	shalt  }
0x76: {  	_ =	shalt  }
0x77: {  	_ =	shalt  }
0x78: {  	_ =	shalt  }
0x79: {  	_ =	shalt  }
0x7a: {  	_ =	shalt  }
0x7b: {  	_ =	shalt  }
0x7c: {  	_ =	shalt  }
0x7d: {  	_ =	shalt  }
0x7e: {  	_ =	shalt  }
0x7f: {  	_ =	shalt  }
0x80: {  	_ =	shalt  }
0x81: {  	_ =	shalt  }
0x82: {  	_ =	shalt  }
0x83: {  	_ =	shalt  }
0x84: {  	_ =	shalt  }
0x85: {  	_ =	shalt  }
0x86: {  	_ =	shalt  }
0x87: {  	_ =	shalt  }
.Lfunc_end0:
.L_simem_size_0:
called_computation_lowered:
.L_overlay_start_0:
0x88: {  	s2 =	sld [smem:$0x3FD9]  }
0x89: {  	s3 =	sld [smem:$0x3FFE];
	_ =	sdelay $0x1  }
0x8a: {  	s1 =	srdreg.scid  }
0x8b: {  	s0 =	sand.u32 $0x1, s1  }
0x8c: {  	s18 =	sshll.u32 s0, $0xA;
	s2 =	sadd.s32 s3, s2  }
0x8d: {  	s2 =	sadd.s32 s2, s18  }
0x8e: {  	[smem:$0x3FC6] =	sst s2  }
0x8f: {  	_ = 	snop  }
0x90: {  	s2 =	sld [smem:$0x3FC9]  }
0x91: {  	s19 =	sld [smem:$0x3FC8]  }
0x92: {  	s4 =	sld [smem:$0x3FD0];
	(tm) =	ssettm $0x1  }
0x93: {  	s5 =	sld [smem:$0x3FFB];
	_ =	sdelay $0x3  }
0x94: {  	_ =	strace s5  }
0x95: {  	s5 =	sld [smem:$0x3FFC];
	_ =	sdelay $0x3  }
0x96: {  	_ =	strace s5  }
0x97: {  	s5 =	sld [smem:$0x3FFD];
	_ =	sdelay $0x3  }
0x98: {  	_ =	strace s5  }
0x99: {  	_ =	strace $0x8FFFFFFF  }
0x9a: {  	s20 =	sld [smem:$0x3FDB];
	_ =	sdelay $0x1  }
0x9b: {  	s6 =	simm.s32 $_scs_section_size  }
0x9c: {  	s7 =	simm.s32 $_size__tile_overlayer_lowered;
	s8 =	simm.s32 $_tile_overlayer_lowered  }
0x9d: {  	s23 =	simm.s32 $0x1BFF;
	s22 =	sshll.u32 s8, $0x1;
	s5 =	sadd.s32 s6, s20  }
0x9e: {  	s9 =	simm.s32 $0x0;
	s21 =	sshll.u32 s7, $0x1;
	s7 =	sadd.s32 s22, s5  }
0x9f: {  	[timem:s9], [sflag:s23] =	dma.local [hbm:s7], s21  }
0xa0: {  	_ =	swait.ge [sflag:s23], s21  }
0xa1: {  	s6 =	ssub.s32 $0x0, s21;
	[sflag:s23] =	ssyncset.done $0x0  }
0xa2: {  	[sflag:s23] =	ssyncadd.s32 s6;
	_ =	sdelay $0x1  }
0xa3: {  	s24 =	simm.s32 $0x1B8B  }
0xa4: {  	_ =	swait.ge [sflag:s24], $0x1  }
0xa5: {  	[sflag:s24] =	ssyncset.done $0x0  }
0xa6: {  	s25 =	simm.s32 $0x1B8E;
	[sflag:s24] =	ssyncadd.s32 $0xFFFFFFFF  }
0xa7: {  	s26 =	simm.s32 $execute0_lowered;
	[smem:$0x3FD2] =	sst s25  }
0xa8: {  	s6 =	sshll.u32 s26, $0x1;
	_ =	strace $0x80000046;
	[dreg:$0x1] =	wrdreg $0xFFFFFFFF  }
0xa9: {  	s28 =	simm.s32 $_size_execute0_lowered;
	s5 =	sadd.s32 s5, s6;
	[dreg:$0x0] =	wrdreg $0x0  }
0xaa: {  	s6 =	sshll.u32 s28, $0x1;
	[dreg:$0x2] =	wrdreg s5  }
0xab: {  	[dreg:$0x3] =	wrdreg s6  }
0xac: {  	[dreg:$0x4] =	wrdreg $0xC0  }
0xad: {  	_ =	task [dreg:s9], $0x5FFFF  }
0xae: {  	[dreg:$0x1] =	wrdreg $0xFFFFFFFF  }
0xaf: {  	[dreg:$0x0] =	wrdreg $0x60  }
0xb0: {  	[dreg:$0x2] =	wrdreg s2  }
0xb1: {  	[dreg:$0x3] =	wrdreg s19  }
0xb2: {  	[dreg:$0x4] =	wrdreg s4  }
0xb3: {  	[dreg:$0x5] =	wrdreg $0x9  }
0xb4: {  	_ =	task.clear_ibuf [dreg:s9], $0x6FFFF;
	_ =	strace $0x90000046  }
0xb5: {  	s29 =	simm.s32 $0x9;
	_ =	strace $0x80000048  }
0xb6: {  	_ =	swait.ge [sflag:s29], $0x1  }
0xb7: {  	[sflag:s29] =	ssyncadd.s32 $0xFFFFFFFF  }
0xb8: {  	_ =	strace $0x90000048  }
0xb9: {  	_ =	sfence  }
0xba: {  	s30 =	sld [smem:$0x0];
	_ =	sdelay $0x2  }
0xbb: {  	s31 =	sshll.u32 s1, $0xD;
	s1 =	sshrl.u32 s1, $0x2  }
0xbc: {  	s3 =	sand.u32 $0x4000, s31;
	s1 =	sadd.s32 s1, s30  }
0xbd: {  	s0 =	sor.u32 s3, s0;
	s1 =	sshll.u32 s1, $0x11  }
0xbe: {  	s0 =	sor.u32 s1, s0  }
0xbf: {  	s0 =	sadd.s32 $0x8F2B, s0  }
0xc0: {  	[sflag:s0] =	ssyncadd.remote.s32 $0x1  }
0xc1: {  	_ =	sfence.sel $0xFFFF  }
0xc2: {  	[dreg:$0x0] =	wrdreg $0xFFFFFFFF;
	(pc) =	sbr.abs _section_cstart, $3  }
0xc3: {  	[dreg:$0x1] =	wrdreg $0xFFFFFFFF  }
0xc4: {  	_ =	task.clear_ibuf [dreg:s9], $0x2FFFF;
	_ =	strace $0x9FFFFFFF  }
0xc5: {  	(tm) =	ssettm $0x7FFFFFFF  }
tec
execute0_lowered:
.L_overlay_start_1:
0x0: {  	(tag) =	ssettag $0x1  }
0x1: {  	s0 =	rddreg [dreg:$0x0]  }
0x2: {  	s2 =	rddreg [dreg:$0x1];
	s6 =	stileid.u32  }
0x3: {  	s1 =	rddreg [dreg:$0x2];
	s3 =	srdreg.scid  }
0x4: {  	s25 =	simm.s32 $0x12900;
	s11 =	simm.s32 $0x16100;
	s12 =	simm.s32 $0x16900  }
0x5: {  	s4 =	sshll.u32 s6, $0x1;
	s5 =	sand.u32 $0x1, s3;
	s3 =	simm.s32 $0x0  }
0x6: {  	s6 =	sshrl.u32 s6, $0x2;
	s4 =	sand.u32 $0x6, s4;
	[smem:$0x7FF] =	sst s3  }
0x7: {  	s8 =	sshll.u32 s6, $0x7;
	_ =	strace $0x80000047;
	[dreg:$0xd] =	wrdreg s25  }
0x8: {  	s6 =	smul.u32 $0x180000, s6;
	s24 =	ssub.s32 $0x2, s5;
	[dreg:$0x14] =	wrdreg s11  }
0x9: {  	s4 =	sor.u32 s5, s4;
	s5 =	simm.s32 $0x13100;
	[dreg:$0x15] =	wrdreg s12  }
0xa: {  	s25 =	simm.s32 $0x1D100;
	s7 =	sshll.u32 s4, $0xA;
	s9 =	sshll.u32 s4, $0x8  }
0xb: {  	s4 =	smul.u32 $0x30000, s4;
	[dreg:$0xe] =	wrdreg s5;
	s7 =	sor.u32 s8, s7  }
0xc: {  	[smem:$0x7FC] =	sst s25;
	s9 =	sor.u32 $0x80, s9;
	s7 =	sshrl.u32 s7, $0x3  }
0xd: {  	s10 =	sshll.u32 s9, $0x2;
	s14 =	sshrl.u32 s9, $0x3;
	s9 =	simm.s32 $0x15100  }
0xe: {  	s4 =	sadd.s32 s6, s4;
	s7 =	sadd.s32 s0, s7;
	[dreg:$0x12] =	wrdreg s9  }
0xf: {  	s13 =	sor.u32 s8, s10;
	s8 =	simm.s32 $0x14900;
	[dreg:$0x4] =	wrdreg s7  }
0x10: {  	s4 =	sshrl.u32 s4, $0x3;
	s10 =	simm.s32 $0x15900;
	[dreg:$0x11] =	wrdreg s8  }
0x11: {  	s16 =	smul.u32 $0x1800, s14;
	s14 =	simm.s32 $0x17900;
	[dreg:$0x13] =	wrdreg s10  }
0x12: {  	s28 =	simm.s32 $0x7;
	s15 =	sadd.s32 s1, s4;
	[dreg:$0x17] =	wrdreg s14  }
0x13: {  	s7 =	sshrl.u32 s13, $0x3;
	s13 =	simm.s32 $0x17100;
	[smem:$0x7F9] =	sst s15  }
0x14: {  	s29 =	simm.s32 $0x3;
	s0 =	sadd.s32 s0, s7;
	[dreg:$0x16] =	wrdreg s13  }
0x15: {  	s30 =	simm.s32 $0x8;
	s17 =	sadd.s32 $0xC00, s15;
	[dreg:$0x5] =	wrdreg s0  }
0x16: {  	s31 =	simm.s32 $0x5100;
	s18 =	sadd.s32 $0x1800, s15;
	[dreg:$0x6] =	wrdreg s17  }
0x17: {  	s26 =	sshrl.u32 s24, $0x1;
	s19 =	sadd.s32 $0x2400, s15;
	[dreg:$0x7] =	wrdreg s18  }
0x18: {  	s11 =	simm.s32 $0x7100;
	s21 =	sadd.s32 $0x3C00, s15;
	[dreg:$0x8] =	wrdreg s19  }
0x19: {  	s5 =	sadd.s32 $0x100, s2;
	s22 =	sadd.s32 $0x4800, s15;
	[dreg:$0xa] =	wrdreg s21  }
0x1a: {  	s25 =	simm.s32 $0x6;
	s23 =	sadd.s32 $0x5400, s15;
	[dreg:$0xb] =	wrdreg s22  }
0x1b: {  	s4 =	sadd.s32 s6, s16;
	s6 =	simm.s32 $0x13900;
	[dreg:$0xc] =	wrdreg s23  }
0x1c: {  	s9 =	simm.s32 $0x7900;
	s7 =	simm.s32 $0x14100;
	[dreg:$0xf] =	wrdreg s6  }
0x1d: {  	s8 =	simm.s32 $0x5900;
	s15 =	simm.s32 $0x80;
	[dreg:$0x10] =	wrdreg s7  }
0x1e: {  	s10 =	simm.s32 $0x6100;
	s16 =	simm.s32 $0x18900;
	[dreg:$0x18] =	wrdreg s15  }
0x1f: {  	s4 =	sshrl.u32 s4, $0x3;
	[dreg:$0x19] =	wrdreg s16;
	s17 =	simm.s32 $0x19100  }
0x20: {  	s6 =	sadd.s32 $0x200, s2;
	s18 =	simm.s32 $0x19900;
	[dreg:$0x1a] =	wrdreg s17  }
0x21: {  	s19 =	simm.s32 $0x1A100;
	s21 =	simm.s32 $0x1B100;
	[dreg:$0x1b] =	wrdreg s18  }
0x22: {  	s22 =	simm.s32 $0x1B900;
	s23 =	simm.s32 $0x1C100;
	[dreg:$0x1c] =	wrdreg s19  }
0x23: {  	s15 =	simm.s32 $0x900;
	s16 =	simm.s32 $0x1100;
	[dreg:$0x1e] =	wrdreg s21  }
0x24: {  	s20 =	sadd.s32 s1, s4;
	s1 =	ssub.s32 s24, s26;
	[dreg:$0x1f] =	wrdreg s22  }
0x25: {  	[smem:$0x7FA] =	sst s23;
	s24 =	simm.s32 $0x1C900;
	s26 =	simm.s32 $0x1D900  }
0x26: {  	s21 =	simm.s32 $0x100;
	s17 =	simm.s32 $0x1900;
	s18 =	simm.s32 $0x2100  }
0x27: {  	s19 =	simm.s32 $0x2900;
	s22 =	simm.s32 $0x3900;
	[dreg:$0x9] =	wrdreg s20  }
0x28: {  	v2 =	vlaneseq.u32;
	s23 =	simm.s32 $0x4100;
	s7 =	smax.u32 s1, $0x1;
	[smem:$0x7FB] =	sst s24  }
0x29: {  	vm0 =	vmmov $0xffff;
	v1 =	vshrl.u32 v2, $0x3;
	s20 =	simm.s32 $0x1A900;
	[smem:$0x7FD] =	sst s26;
	s24 =	simm.s32 $0x1  }
0x2a: {  	v0 =	vand.u32 $0x7, v2;
	v2 =	vor.u32 $0x8, v2;
	v1 =	vmul.u32 $0x8, v1;
	s26 =	simm.s32 $0x2;
	[dreg:$0x1d] =	wrdreg s20;
	s20 =	simm.s32 $0x3100  }
.LBB2_1:
0x2b: {  	s12 =	rddreg [dreg:$0x4];
	s0 =	simm.s32 $0xB  }
0x2c: {  	[tilespmem:s3], [sflag:$0xB] =	stream.linear.gather [hbm4b:s12+s3], $0x80, $0x38;
	[tilespmem:$0x1E100] =	vst v63  }
0x2d: {  	_ =	swait.ge [sflag:s0], $0x80  }
0x2e: {  	[sflag:s0] =	ssyncset.done $0x0  }
0x2f: {  	[sflag:s0] =	ssyncadd.s32 $0xFFFFFF80  }
0x30: {  	v3 =	vld [tilespmem:$0x0];
	_ =	sdelay $0x4  }
0x31: {  	v4 =	vshrl.u32 v3, $0x3  }
0x32: {  	v4 =	vmul.u32 $0x30, v4  }
0x33: {  	v3 =	vand.u32 $0x7, v3  }
0x34: {  	v3 =	vor.u32 v3, v4  }
0x35: {  	v4 =	vperm.xlane v3, v0;
	_ =	sdelay $0x1  }
0x36: {  	v4 =	vadd.s32 v1, v4;
	_ =	sdelay $0x3  }
0x37: {  	v3 =	vperm.xlane v3, v2  }
0x38: {  	[tilespmem:s21], [sflag:$0x1] =	stream.indirect_vreg.gather [hbm4b:s2+s3], $0x80, v4, vm0, $0xb8;
	[tilespmem:$0x1E100] =	vst v63  }
0x39: {  	v3 =	vadd.s32 v1, v3  }
0x3a: {  	[tilespmem:s15], [sflag:$0x1] =	stream.indirect_vreg.gather [hbm4b:s5+s3], $0x80, v4, vm0, $0xb8;
	[tilespmem:$0x1E100] =	vst v63  }
0x3b: {  	_ = 	snop  }
0x3c: {  	[tilespmem:s16], [sflag:$0x1] =	stream.indirect_vreg.gather [hbm4b:s6+s3], $0x80, v4, vm0, $0xb8;
	[tilespmem:$0x1E100] =	vst v63  }
0x3d: {  	_ = 	snop  }
0x3e: {  	[tilespmem:s17], [sflag:$0x1] =	stream.indirect_vreg.gather [hbm4b:s2+s3], $0x80, v3, vm0, $0xb8;
	[tilespmem:$0x1E100] =	vst v63  }
0x3f: {  	_ = 	snop  }
0x40: {  	[tilespmem:s18], [sflag:$0x1] =	stream.indirect_vreg.gather [hbm4b:s5+s3], $0x80, v3, vm0, $0xb8;
	[tilespmem:$0x1E100] =	vst v63  }
0x41: {  	_ = 	snop  }
0x42: {  	[tilespmem:s19], [sflag:$0x1] =	stream.indirect_vreg.gather [hbm4b:s6+s3], $0x80, v3, vm0, $0xb8;
	[tilespmem:$0x1E100] =	vst v63  }
0x43: {  	v3 =	vld [tilespmem:$0x10];
	_ =	sdelay $0x4  }
0x44: {  	v49 =	vshrl.u32 v3, $0x3  }
0x45: {  	v4 =	vmul.u32 $0x30, v49  }
0x46: {  	v3 =	vand.u32 $0x7, v3  }
0x47: {  	v3 =	vor.u32 v3, v4  }
0x48: {  	v4 =	vperm.xlane v3, v0;
	_ =	sdelay $0x1  }
0x49: {  	v4 =	vadd.s32 v1, v4;
	_ =	sdelay $0x3  }
0x4a: {  	v3 =	vperm.xlane v3, v2  }
0x4b: {  	[tilespmem:s20], [sflag:$0x1] =	stream.indirect_vreg.gather [hbm4b:s2+s3], $0x80, v4, vm0, $0xb8;
	[tilespmem:$0x1E100] =	vst v63  }
0x4c: {  	v3 =	vadd.s32 v1, v3  }
0x4d: {  	[tilespmem:s22], [sflag:$0x1] =	stream.indirect_vreg.gather [hbm4b:s5+s3], $0x80, v4, vm0, $0xb8;
	[tilespmem:$0x1E100] =	vst v63  }
0x4e: {  	_ = 	snop  }
0x4f: {  	[tilespmem:s23], [sflag:$0x1] =	stream.indirect_vreg.gather [hbm4b:s6+s3], $0x80, v4, vm0, $0xb8;
	[tilespmem:$0x1E100] =	vst v63  }
0x50: {  	s4 =	simm.s32 $0x4900  }
0x51: {  	[tilespmem:s4], [sflag:$0x1] =	stream.indirect_vreg.gather [hbm4b:s2+s3], $0x80, v3, vm0, $0xb8;
	[tilespmem:$0x1E100] =	vst v63  }
0x52: {  	_ = 	snop  }
0x53: {  	[tilespmem:s31], [sflag:$0x1] =	stream.indirect_vreg.gather [hbm4b:s5+s3], $0x80, v3, vm0, $0xb8;
	[tilespmem:$0x1E100] =	vst v63  }
0x54: {  	_ = 	snop  }
0x55: {  	[tilespmem:s8], [sflag:$0x1] =	stream.indirect_vreg.gather [hbm4b:s6+s3], $0x80, v3, vm0, $0xb8;
	[tilespmem:$0x1E100] =	vst v63  }
0x56: {  	v3 =	vld [tilespmem:$0x20];
	_ =	sdelay $0x4  }
0x57: {  	v50 =	vshrl.u32 v3, $0x3  }
0x58: {  	v4 =	vmul.u32 $0x30, v50  }
0x59: {  	v3 =	vand.u32 $0x7, v3  }
0x5a: {  	v3 =	vor.u32 v3, v4  }
0x5b: {  	v4 =	vperm.xlane v3, v0;
	_ =	sdelay $0x1  }
0x5c: {  	v4 =	vadd.s32 v1, v4;
	_ =	sdelay $0x3  }
0x5d: {  	v3 =	vperm.xlane v3, v2  }
0x5e: {  	[tilespmem:s10], [sflag:$0x2] =	stream.indirect_vreg.gather [hbm4b:s2+s3], $0x80, v4, vm0, $0xb8;
	[tilespmem:$0x1E100] =	vst v63  }
0x5f: {  	s1 =	simm.s32 $0x6900;
	v3 =	vadd.s32 v1, v3  }
0x60: {  	[tilespmem:s1], [sflag:$0x2] =	stream.indirect_vreg.gather [hbm4b:s5+s3], $0x80, v4, vm0, $0xb8;
	[tilespmem:$0x1E100] =	vst v63  }
0x61: {  	_ = 	snop  }
0x62: {  	[tilespmem:s11], [sflag:$0x2] =	stream.indirect_vreg.gather [hbm4b:s6+s3], $0x80, v4, vm0, $0xb8;
	[tilespmem:$0x1E100] =	vst v63  }
0x63: {  	_ = 	snop  }
0x64: {  	[tilespmem:s9], [sflag:$0x2] =	stream.indirect_vreg.gather [hbm4b:s2+s3], $0x80, v3, vm0, $0xb8;
	[tilespmem:$0x1E100] =	vst v63  }
0x65: {  	s14 =	simm.s32 $0x8100  }
0x66: {  	[tilespmem:s14], [sflag:$0x2] =	stream.indirect_vreg.gather [hbm4b:s5+s3], $0x80, v3, vm0, $0xb8;
	[tilespmem:$0x1E100] =	vst v63  }
0x67: {  	s12 =	simm.s32 $0x8900  }
0x68: {  	[tilespmem:s12], [sflag:$0x2] =	stream.indirect_vreg.gather [hbm4b:s6+s3], $0x80, v3, vm0, $0xb8;
	[tilespmem:$0x1E100] =	vst v63  }
0x69: {  	v3 =	vld [tilespmem:$0x30];
	_ =	sdelay $0x4  }
0x6a: {  	v51 =	vshrl.u32 v3, $0x3  }
0x6b: {  	v4 =	vmul.u32 $0x30, v51  }
0x6c: {  	v3 =	vand.u32 $0x7, v3  }
0x6d: {  	v3 =	vor.u32 v3, v4  }
0x6e: {  	v4 =	vperm.xlane v3, v0;
	_ =	sdelay $0x1  }
0x6f: {  	v4 =	vadd.s32 v1, v4;
	_ =	sdelay $0x3  }
0x70: {  	s13 =	simm.s32 $0x9100;
	v3 =	vperm.xlane v3, v2  }
0x71: {  	[tilespmem:s13], [sflag:$0x2] =	stream.indirect_vreg.gather [hbm4b:s2+s3], $0x80, v4, vm0, $0xb8;
	[tilespmem:$0x1E100] =	vst v63  }
0x72: {  	s14 =	simm.s32 $0x9900;
	v3 =	vadd.s32 v1, v3  }
0x73: {  	[tilespmem:s14], [sflag:$0x2] =	stream.indirect_vreg.gather [hbm4b:s5+s3], $0x80, v4, vm0, $0xb8;
	[tilespmem:$0x1E100] =	vst v63  }
0x74: {  	s12 =	simm.s32 $0xA100  }
0x75: {  	[tilespmem:s12], [sflag:$0x2] =	stream.indirect_vreg.gather [hbm4b:s6+s3], $0x80, v4, vm0, $0xb8;
	[tilespmem:$0x1E100] =	vst v63  }
0x76: {  	s13 =	simm.s32 $0xA900  }
0x77: {  	[tilespmem:s13], [sflag:$0x2] =	stream.indirect_vreg.gather [hbm4b:s2+s3], $0x80, v3, vm0, $0xb8;
	[tilespmem:$0x1E100] =	vst v63  }
0x78: {  	s14 =	simm.s32 $0xB100  }
0x79: {  	[tilespmem:s14], [sflag:$0x2] =	stream.indirect_vreg.gather [hbm4b:s5+s3], $0x80, v3, vm0, $0xb8;
	[tilespmem:$0x1E100] =	vst v63  }
0x7a: {  	s12 =	simm.s32 $0xB900  }
0x7b: {  	[tilespmem:s12], [sflag:$0x2] =	stream.indirect_vreg.gather [hbm4b:s6+s3], $0x80, v3, vm0, $0xb8;
	[tilespmem:$0x1E100] =	vst v63  }
0x7c: {  	v3 =	vld [tilespmem:$0x40];
	_ =	sdelay $0x4  }
0x7d: {  	v52 =	vshrl.u32 v3, $0x3  }
0x7e: {  	v4 =	vmul.u32 $0x30, v52  }
0x7f: {  	v3 =	vand.u32 $0x7, v3  }
0x80: {  	v3 =	vor.u32 v3, v4  }
0x81: {  	v4 =	vperm.xlane v3, v0;
	_ =	sdelay $0x1  }
0x82: {  	v4 =	vadd.s32 v1, v4;
	_ =	sdelay $0x3  }
0x83: {  	s1 =	simm.s32 $0xC100;
	v3 =	vperm.xlane v3, v2  }
0x84: {  	[tilespmem:s1], [sflag:$0x3] =	stream.indirect_vreg.gather [hbm4b:s2+s3], $0x80, v4, vm0, $0xb8;
	[tilespmem:$0x1E100] =	vst v63  }
0x85: {  	s13 =	simm.s32 $0xC900;
	v3 =	vadd.s32 v1, v3  }
0x86: {  	[tilespmem:s13], [sflag:$0x3] =	stream.indirect_vreg.gather [hbm4b:s5+s3], $0x80, v4, vm0, $0xb8;
	[tilespmem:$0x1E100] =	vst v63  }
0x87: {  	s14 =	simm.s32 $0xD100  }
0x88: {  	[tilespmem:s14], [sflag:$0x3] =	stream.indirect_vreg.gather [hbm4b:s6+s3], $0x80, v4, vm0, $0xb8;
	[tilespmem:$0x1E100] =	vst v63  }
0x89: {  	s13 =	simm.s32 $0xD900  }
0x8a: {  	[tilespmem:s13], [sflag:$0x3] =	stream.indirect_vreg.gather [hbm4b:s2+s3], $0x80, v3, vm0, $0xb8;
	[tilespmem:$0x1E100] =	vst v63  }
0x8b: {  	s14 =	simm.s32 $0xE100  }
0x8c: {  	[tilespmem:s14], [sflag:$0x3] =	stream.indirect_vreg.gather [hbm4b:s5+s3], $0x80, v3, vm0, $0xb8;
	[tilespmem:$0x1E100] =	vst v63  }
0x8d: {  	s13 =	simm.s32 $0xE900  }
0x8e: {  	[tilespmem:s13], [sflag:$0x3] =	stream.indirect_vreg.gather [hbm4b:s6+s3], $0x80, v3, vm0, $0xb8;
	[tilespmem:$0x1E100] =	vst v63  }
0x8f: {  	v3 =	vld [tilespmem:$0x50];
	_ =	sdelay $0x4  }
0x90: {  	v53 =	vshrl.u32 v3, $0x3  }
0x91: {  	v4 =	vmul.u32 $0x30, v53  }
0x92: {  	v3 =	vand.u32 $0x7, v3  }
0x93: {  	v3 =	vor.u32 v3, v4  }
0x94: {  	v4 =	vperm.xlane v3, v0;
	_ =	sdelay $0x1  }
0x95: {  	v4 =	vadd.s32 v1, v4;
	_ =	sdelay $0x3  }
0x96: {  	s14 =	simm.s32 $0xF100;
	v3 =	vperm.xlane v3, v2  }
0x97: {  	[tilespmem:s14], [sflag:$0x3] =	stream.indirect_vreg.gather [hbm4b:s2+s3], $0x80, v4, vm0, $0xb8;
	[tilespmem:$0x1E100] =	vst v63  }
0x98: {  	s13 =	simm.s32 $0xF900;
	v3 =	vadd.s32 v1, v3  }
0x99: {  	[tilespmem:s13], [sflag:$0x3] =	stream.indirect_vreg.gather [hbm4b:s5+s3], $0x80, v4, vm0, $0xb8;
	[tilespmem:$0x1E100] =	vst v63  }
0x9a: {  	s14 =	simm.s32 $0x10100  }
0x9b: {  	[tilespmem:s14], [sflag:$0x3] =	stream.indirect_vreg.gather [hbm4b:s6+s3], $0x80, v4, vm0, $0xb8;
	[tilespmem:$0x1E100] =	vst v63  }
0x9c: {  	s13 =	simm.s32 $0x10900  }
0x9d: {  	[tilespmem:s13], [sflag:$0x3] =	stream.indirect_vreg.gather [hbm4b:s2+s3], $0x80, v3, vm0, $0xb8;
	[tilespmem:$0x1E100] =	vst v63  }
0x9e: {  	s14 =	simm.s32 $0x11100  }
0x9f: {  	[tilespmem:s14], [sflag:$0x3] =	stream.indirect_vreg.gather [hbm4b:s5+s3], $0x80, v3, vm0, $0xb8;
	[tilespmem:$0x1E100] =	vst v63  }
0xa0: {  	s13 =	simm.s32 $0x11900  }
0xa1: {  	[tilespmem:s13], [sflag:$0x3] =	stream.indirect_vreg.gather [hbm4b:s6+s3], $0x80, v3, vm0, $0xb8;
	[tilespmem:$0x1E100] =	vst v63  }
0xa2: {  	v3 =	vld [tilespmem:$0x60];
	_ =	sdelay $0x4  }
0xa3: {  	v54 =	vshrl.u32 v3, $0x3  }
0xa4: {  	v4 =	vmul.u32 $0x30, v54  }
0xa5: {  	v3 =	vand.u32 $0x7, v3  }
0xa6: {  	v3 =	vor.u32 v3, v4  }
0xa7: {  	v4 =	vperm.xlane v3, v0;
	_ =	sdelay $0x1  }
0xa8: {  	v4 =	vadd.s32 v1, v4;
	_ =	sdelay $0x3  }
0xa9: {  	s13 =	simm.s32 $0x12100;
	v3 =	vperm.xlane v3, v2  }
0xaa: {  	[tilespmem:s13], [sflag:$0x4] =	stream.indirect_vreg.gather [hbm4b:s2+s3], $0x80, v4, vm0, $0xb8;
	[tilespmem:$0x1E100] =	vst v63  }
0xab: {  	s14 =	rddreg [dreg:$0xd];
	v3 =	vadd.s32 v1, v3  }
0xac: {  	[tilespmem:s14], [sflag:$0x4] =	stream.indirect_vreg.gather [hbm4b:s5+s3], $0x80, v4, vm0, $0xb8;
	[tilespmem:$0x1E100] =	vst v63  }
0xad: {  	s13 =	rddreg [dreg:$0xe]  }
0xae: {  	[tilespmem:s13], [sflag:$0x4] =	stream.indirect_vreg.gather [hbm4b:s6+s3], $0x80, v4, vm0, $0xb8;
	[tilespmem:$0x1E100] =	vst v63  }
0xaf: {  	s14 =	rddreg [dreg:$0xf]  }
0xb0: {  	[tilespmem:s14], [sflag:$0x4] =	stream.indirect_vreg.gather [hbm4b:s2+s3], $0x80, v3, vm0, $0xb8;
	[tilespmem:$0x1E100] =	vst v63  }
0xb1: {  	s13 =	rddreg [dreg:$0x10]  }
0xb2: {  	[tilespmem:s13], [sflag:$0x4] =	stream.indirect_vreg.gather [hbm4b:s5+s3], $0x80, v3, vm0, $0xb8;
	[tilespmem:$0x1E100] =	vst v63  }
0xb3: {  	s14 =	rddreg [dreg:$0x11]  }
0xb4: {  	[tilespmem:s14], [sflag:$0x4] =	stream.indirect_vreg.gather [hbm4b:s6+s3], $0x80, v3, vm0, $0xb8;
	[tilespmem:$0x1E100] =	vst v63  }
0xb5: {  	v3 =	vld [tilespmem:$0x70];
	_ =	sdelay $0x4  }
0xb6: {  	v55 =	vshrl.u32 v3, $0x3  }
0xb7: {  	v4 =	vmul.u32 $0x30, v55  }
0xb8: {  	v3 =	vand.u32 $0x7, v3  }
0xb9: {  	v3 =	vor.u32 v3, v4  }
0xba: {  	v4 =	vperm.xlane v3, v0;
	_ =	sdelay $0x1  }
0xbb: {  	v4 =	vadd.s32 v1, v4;
	_ =	sdelay $0x2  }
0xbc: {  	s12 =	rddreg [dreg:$0x17]  }
0xbd: {  	s14 =	rddreg [dreg:$0x12];
	v3 =	vperm.xlane v3, v2  }
0xbe: {  	[tilespmem:s14], [sflag:$0x4] =	stream.indirect_vreg.gather [hbm4b:s2+s3], $0x80, v4, vm0, $0xb8;
	[tilespmem:$0x1E100] =	vst v63  }
0xbf: {  	s13 =	rddreg [dreg:$0x13];
	v3 =	vadd.s32 v1, v3  }
0xc0: {  	[tilespmem:s13], [sflag:$0x4] =	stream.indirect_vreg.gather [hbm4b:s5+s3], $0x80, v4, vm0, $0xb8;
	[tilespmem:$0x1E100] =	vst v63  }
0xc1: {  	s14 =	rddreg [dreg:$0x14]  }
0xc2: {  	[tilespmem:s14], [sflag:$0x4] =	stream.indirect_vreg.gather [hbm4b:s6+s3], $0x80, v4, vm0, $0xb8;
	[tilespmem:$0x1E100] =	vst v63  }
0xc3: {  	s13 =	rddreg [dreg:$0x15]  }
0xc4: {  	[tilespmem:s13], [sflag:$0x4] =	stream.indirect_vreg.gather [hbm4b:s2+s3], $0x80, v3, vm0, $0xb8;
	[tilespmem:$0x1E100] =	vst v63  }
0xc5: {  	s14 =	rddreg [dreg:$0x16]  }
0xc6: {  	[tilespmem:s14], [sflag:$0x4] =	stream.indirect_vreg.gather [hbm4b:s5+s3], $0x80, v3, vm0, $0xb8;
	[tilespmem:$0x1E100] =	vst v63  }
0xc7: {  	s13 =	rddreg [dreg:$0x5]  }
0xc8: {  	[tilespmem:s12], [sflag:$0x4] =	stream.indirect_vreg.gather [hbm4b:s6+s3], $0x80, v3, vm0, $0xb8;
	[tilespmem:$0x1E100] =	vst v63  }
0xc9: {  	s14 =	rddreg [dreg:$0x18]  }
0xca: {  	[tilespmem:s14], [sflag:$0xB] =	stream.linear.gather [hbm4b:s13+s3], $0x80, $0x38;
	[tilespmem:$0x1E100] =	vst v63  }
0xcb: {  	_ =	swait.ge [sflag:s0], $0x80  }
0xcc: {  	[sflag:s0] =	ssyncset.done $0x0  }
0xcd: {  	[sflag:s0] =	ssyncadd.s32 $0xFFFFFF80  }
0xce: {  	v3 =	vld [tilespmem:$0x80];
	_ =	sdelay $0x4  }
0xcf: {  	v56 =	vshrl.u32 v3, $0x3  }
0xd0: {  	v4 =	vmul.u32 $0x30, v56  }
0xd1: {  	v3 =	vand.u32 $0x7, v3  }
0xd2: {  	v3 =	vor.u32 v3, v4  }
0xd3: {  	v4 =	vperm.xlane v3, v0;
	_ =	sdelay $0x1  }
0xd4: {  	v4 =	vadd.s32 v1, v4;
	_ =	sdelay $0x3  }
0xd5: {  	s0 =	simm.s32 $0x18100;
	v3 =	vperm.xlane v3, v2  }
0xd6: {  	[tilespmem:s0], [sflag:$0x5] =	stream.indirect_vreg.gather [hbm4b:s2+s3], $0x80, v4, vm0, $0xb8;
	[tilespmem:$0x1E100] =	vst v63  }
0xd7: {  	s14 =	rddreg [dreg:$0x19];
	v3 =	vadd.s32 v1, v3  }
0xd8: {  	[tilespmem:s14], [sflag:$0x5] =	stream.indirect_vreg.gather [hbm4b:s5+s3], $0x80, v4, vm0, $0xb8;
	[tilespmem:$0x1E100] =	vst v63  }
0xd9: {  	s13 =	rddreg [dreg:$0x1a]  }
0xda: {  	[tilespmem:s13], [sflag:$0x5] =	stream.indirect_vreg.gather [hbm4b:s6+s3], $0x80, v4, vm0, $0xb8;
	[tilespmem:$0x1E100] =	vst v63  }
0xdb: {  	s14 =	rddreg [dreg:$0x1b]  }
0xdc: {  	[tilespmem:s14], [sflag:$0x5] =	stream.indirect_vreg.gather [hbm4b:s2+s3], $0x80, v3, vm0, $0xb8;
	[tilespmem:$0x1E100] =	vst v63  }
0xdd: {  	s13 =	rddreg [dreg:$0x1c]  }
0xde: {  	[tilespmem:s13], [sflag:$0x5] =	stream.indirect_vreg.gather [hbm4b:s5+s3], $0x80, v3, vm0, $0xb8;
	[tilespmem:$0x1E100] =	vst v63  }
0xdf: {  	s14 =	rddreg [dreg:$0x1d]  }
0xe0: {  	[tilespmem:s14], [sflag:$0x5] =	stream.indirect_vreg.gather [hbm4b:s6+s3], $0x80, v3, vm0, $0xb8;
	[tilespmem:$0x1E100] =	vst v63  }
0xe1: {  	v3 =	vld [tilespmem:$0x90];
	_ =	sdelay $0x4  }
0xe2: {  	v57 =	vshrl.u32 v3, $0x3  }
0xe3: {  	v4 =	vmul.u32 $0x30, v57  }
0xe4: {  	v3 =	vand.u32 $0x7, v3  }
0xe5: {  	v3 =	vor.u32 v3, v4  }
0xe6: {  	v4 =	vperm.xlane v3, v0;
	_ =	sdelay $0x1  }
0xe7: {  	v4 =	vadd.s32 v1, v4;
	_ =	sdelay $0x2  }
0xe8: {  	s12 =	sld [smem:$0x7FA]  }
0xe9: {  	s13 =	rddreg [dreg:$0x1e];
	v3 =	vperm.xlane v3, v2  }
0xea: {  	[tilespmem:s13], [sflag:$0x5] =	stream.indirect_vreg.gather [hbm4b:s2+s3], $0x80, v4, vm0, $0xb8;
	[tilespmem:$0x1E100] =	vst v63  }
0xeb: {  	s14 =	rddreg [dreg:$0x1f];
	v3 =	vadd.s32 v1, v3  }
0xec: {  	[tilespmem:s14], [sflag:$0x5] =	stream.indirect_vreg.gather [hbm4b:s5+s3], $0x80, v4, vm0, $0xb8;
	[tilespmem:$0x1E100] =	vst v63  }
0xed: {  	s14 =	sld [smem:$0x7FB]  }
0xee: {  	[tilespmem:s12], [sflag:$0x5] =	stream.indirect_vreg.gather [hbm4b:s6+s3], $0x80, v4, vm0, $0xb8;
	[tilespmem:$0x1E100] =	vst v63  }
0xef: {  	s12 =	sld [smem:$0x7FC]  }
0xf0: {  	[tilespmem:s14], [sflag:$0x5] =	stream.indirect_vreg.gather [hbm4b:s2+s3], $0x80, v3, vm0, $0xb8;
	[tilespmem:$0x1E100] =	vst v63  }
0xf1: {  	s14 =	sld [smem:$0x7FD]  }
0xf2: {  	[tilespmem:s12], [sflag:$0x5] =	stream.indirect_vreg.gather [hbm4b:s5+s3], $0x80, v3, vm0, $0xb8;
	[tilespmem:$0x1E100] =	vst v63  }
0xf3: {  	_ = 	snop  }
0xf4: {  	[tilespmem:s14], [sflag:$0x5] =	stream.indirect_vreg.gather [hbm4b:s6+s3], $0x80, v3, vm0, $0xb8;
	[tilespmem:$0x1E100] =	vst v63  }
0xf5: {  	_ =	swait.ge [sflag:s24], $0x6000  }
0xf6: {  	s14 =	sld [smem:$0x7F9]  }
0xf7: {  	[sflag:s24] =	ssyncset.done $0x0  }
0xf8: {  	[sflag:s24] =	ssyncadd.s32 $0xFFFFA000  }
0xf9: {  	[hbm4b:s14+s3] =	stream.linear.scatter [tilespmem:s21], [sflag:$0x6], $0x6000, $0x38;
	[tilespmem:$0x1E100] =	vst v63  }
0xfa: {  	_ =	swait.ge [sflag:s25], $0x6000  }
0xfb: {  	[sflag:s25] =	ssyncset.done $0x0  }
0xfc: {  	[sflag:s25] =	ssyncadd.s32 $0xFFFFA000  }
0xfd: {  	v3 =	vld [tilespmem:$0xA0];
	_ =	sdelay $0x4  }
0xfe: {  	v58 =	vshrl.u32 v3, $0x3  }
0xff: {  	v4 =	vmul.u32 $0x30, v58  }
0x100: {  	v3 =	vand.u32 $0x7, v3  }
0x101: {  	v3 =	vor.u32 v3, v4  }
0x102: {  	v4 =	vperm.xlane v3, v0;
	_ =	sdelay $0x1  }
0x103: {  	v4 =	vadd.s32 v1, v4;
	_ =	sdelay $0x3  }
0x104: {  	v3 =	vperm.xlane v3, v2  }
0x105: {  	[tilespmem:s21], [sflag:$0x1] =	stream.indirect_vreg.gather [hbm4b:s2+s3], $0x80, v4, vm0, $0xb8;
	[tilespmem:$0x1E100] =	vst v63  }
0x106: {  	v3 =	vadd.s32 v1, v3  }
0x107: {  	[tilespmem:s15], [sflag:$0x1] =	stream.indirect_vreg.gather [hbm4b:s5+s3], $0x80, v4, vm0, $0xb8;
	[tilespmem:$0x1E100] =	vst v63  }
0x108: {  	_ = 	snop  }
0x109: {  	[tilespmem:s16], [sflag:$0x1] =	stream.indirect_vreg.gather [hbm4b:s6+s3], $0x80, v4, vm0, $0xb8;
	[tilespmem:$0x1E100] =	vst v63  }
0x10a: {  	_ = 	snop  }
0x10b: {  	[tilespmem:s17], [sflag:$0x1] =	stream.indirect_vreg.gather [hbm4b:s2+s3], $0x80, v3, vm0, $0xb8;
	[tilespmem:$0x1E100] =	vst v63  }
0x10c: {  	_ = 	snop  }
0x10d: {  	[tilespmem:s18], [sflag:$0x1] =	stream.indirect_vreg.gather [hbm4b:s5+s3], $0x80, v3, vm0, $0xb8;
	[tilespmem:$0x1E100] =	vst v63  }
0x10e: {  	_ = 	snop  }
0x10f: {  	[tilespmem:s19], [sflag:$0x1] =	stream.indirect_vreg.gather [hbm4b:s6+s3], $0x80, v3, vm0, $0xb8;
	[tilespmem:$0x1E100] =	vst v63  }
0x110: {  	v3 =	vld [tilespmem:$0xB0];
	_ =	sdelay $0x4  }
0x111: {  	v59 =	vshrl.u32 v3, $0x3  }
0x112: {  	v4 =	vmul.u32 $0x30, v59  }
0x113: {  	v3 =	vand.u32 $0x7, v3  }
0x114: {  	v3 =	vor.u32 v3, v4  }
0x115: {  	v4 =	vperm.xlane v3, v0;
	_ =	sdelay $0x1  }
0x116: {  	v4 =	vadd.s32 v1, v4;
	_ =	sdelay $0x3  }
0x117: {  	v3 =	vperm.xlane v3, v2  }
0x118: {  	[tilespmem:s20], [sflag:$0x1] =	stream.indirect_vreg.gather [hbm4b:s2+s3], $0x80, v4, vm0, $0xb8;
	[tilespmem:$0x1E100] =	vst v63  }
0x119: {  	v3 =	vadd.s32 v1, v3  }
0x11a: {  	[tilespmem:s22], [sflag:$0x1] =	stream.indirect_vreg.gather [hbm4b:s5+s3], $0x80, v4, vm0, $0xb8;
	[tilespmem:$0x1E100] =	vst v63  }
0x11b: {  	_ = 	snop  }
0x11c: {  	[tilespmem:s23], [sflag:$0x1] =	stream.indirect_vreg.gather [hbm4b:s6+s3], $0x80, v4, vm0, $0xb8;
	[tilespmem:$0x1E100] =	vst v63  }
0x11d: {  	_ = 	snop  }
0x11e: {  	[tilespmem:s4], [sflag:$0x1] =	stream.indirect_vreg.gather [hbm4b:s2+s3], $0x80, v3, vm0, $0xb8;
	[tilespmem:$0x1E100] =	vst v63  }
0x11f: {  	_ = 	snop  }
0x120: {  	[tilespmem:s31], [sflag:$0x1] =	stream.indirect_vreg.gather [hbm4b:s5+s3], $0x80, v3, vm0, $0xb8;
	[tilespmem:$0x1E100] =	vst v63  }
0x121: {  	_ = 	snop  }
0x122: {  	[tilespmem:s8], [sflag:$0x1] =	stream.indirect_vreg.gather [hbm4b:s6+s3], $0x80, v3, vm0, $0xb8;
	[tilespmem:$0x1E100] =	vst v63  }
0x123: {  	_ =	swait.ge [sflag:s26], $0x6000  }
0x124: {  	[sflag:s26] =	ssyncset.done $0x0  }
0x125: {  	s4 =	rddreg [dreg:$0x6];
	[sflag:s26] =	ssyncadd.s32 $0xFFFFA000  }
0x126: {  	[hbm4b:s4+s3] =	stream.linear.scatter [tilespmem:s10], [sflag:$0x7], $0x6000, $0x38;
	[tilespmem:$0x1E100] =	vst v63  }
0x127: {  	_ =	swait.ge [sflag:s28], $0x6000  }
0x128: {  	[sflag:s28] =	ssyncset.done $0x0  }
0x129: {  	[sflag:s28] =	ssyncadd.s32 $0xFFFFA000  }
0x12a: {  	v3 =	vld [tilespmem:$0xC0];
	_ =	sdelay $0x4  }
0x12b: {  	v60 =	vshrl.u32 v3, $0x3  }
0x12c: {  	v4 =	vmul.u32 $0x30, v60  }
0x12d: {  	v3 =	vand.u32 $0x7, v3  }
0x12e: {  	v3 =	vor.u32 v3, v4  }
0x12f: {  	v4 =	vperm.xlane v3, v0;
	_ =	sdelay $0x1  }
0x130: {  	v4 =	vadd.s32 v1, v4;
	_ =	sdelay $0x3  }
0x131: {  	v3 =	vperm.xlane v3, v2  }
0x132: {  	[tilespmem:s10], [sflag:$0x2] =	stream.indirect_vreg.gather [hbm4b:s2+s3], $0x80, v4, vm0, $0xb8;
	[tilespmem:$0x1E100] =	vst v63  }
0x133: {  	s12 =	simm.s32 $0x6900;
	v3 =	vadd.s32 v1, v3  }
0x134: {  	[tilespmem:s12], [sflag:$0x2] =	stream.indirect_vreg.gather [hbm4b:s5+s3], $0x80, v4, vm0, $0xb8;
	[tilespmem:$0x1E100] =	vst v63  }
0x135: {  	_ = 	snop  }
0x136: {  	[tilespmem:s11], [sflag:$0x2] =	stream.indirect_vreg.gather [hbm4b:s6+s3], $0x80, v4, vm0, $0xb8;
	[tilespmem:$0x1E100] =	vst v63  }
0x137: {  	_ = 	snop  }
0x138: {  	[tilespmem:s9], [sflag:$0x2] =	stream.indirect_vreg.gather [hbm4b:s2+s3], $0x80, v3, vm0, $0xb8;
	[tilespmem:$0x1E100] =	vst v63  }
0x139: {  	s13 =	simm.s32 $0x8100  }
0x13a: {  	[tilespmem:s13], [sflag:$0x2] =	stream.indirect_vreg.gather [hbm4b:s5+s3], $0x80, v3, vm0, $0xb8;
	[tilespmem:$0x1E100] =	vst v63  }
0x13b: {  	s14 =	simm.s32 $0x8900  }
0x13c: {  	[tilespmem:s14], [sflag:$0x2] =	stream.indirect_vreg.gather [hbm4b:s6+s3], $0x80, v3, vm0, $0xb8;
	[tilespmem:$0x1E100] =	vst v63  }
0x13d: {  	v3 =	vld [tilespmem:$0xD0];
	_ =	sdelay $0x4  }
0x13e: {  	v61 =	vshrl.u32 v3, $0x3  }
0x13f: {  	v4 =	vmul.u32 $0x30, v61  }
0x140: {  	v3 =	vand.u32 $0x7, v3  }
0x141: {  	v3 =	vor.u32 v3, v4  }
0x142: {  	v4 =	vperm.xlane v3, v0;
	_ =	sdelay $0x1  }
0x143: {  	v4 =	vadd.s32 v1, v4;
	_ =	sdelay $0x3  }
0x144: {  	s12 =	simm.s32 $0x9100;
	v3 =	vperm.xlane v3, v2  }
0x145: {  	[tilespmem:s12], [sflag:$0x2] =	stream.indirect_vreg.gather [hbm4b:s2+s3], $0x80, v4, vm0, $0xb8;
	[tilespmem:$0x1E100] =	vst v63  }
0x146: {  	s13 =	simm.s32 $0x9900;
	v3 =	vadd.s32 v1, v3  }
0x147: {  	[tilespmem:s13], [sflag:$0x2] =	stream.indirect_vreg.gather [hbm4b:s5+s3], $0x80, v4, vm0, $0xb8;
	[tilespmem:$0x1E100] =	vst v63  }
0x148: {  	s14 =	simm.s32 $0xA100  }
0x149: {  	[tilespmem:s14], [sflag:$0x2] =	stream.indirect_vreg.gather [hbm4b:s6+s3], $0x80, v4, vm0, $0xb8;
	[tilespmem:$0x1E100] =	vst v63  }
0x14a: {  	s12 =	simm.s32 $0xA900  }
0x14b: {  	[tilespmem:s12], [sflag:$0x2] =	stream.indirect_vreg.gather [hbm4b:s2+s3], $0x80, v3, vm0, $0xb8;
	[tilespmem:$0x1E100] =	vst v63  }
0x14c: {  	s13 =	simm.s32 $0xB100  }
0x14d: {  	[tilespmem:s13], [sflag:$0x2] =	stream.indirect_vreg.gather [hbm4b:s5+s3], $0x80, v3, vm0, $0xb8;
	[tilespmem:$0x1E100] =	vst v63  }
0x14e: {  	s14 =	simm.s32 $0xB900  }
0x14f: {  	[tilespmem:s14], [sflag:$0x2] =	stream.indirect_vreg.gather [hbm4b:s6+s3], $0x80, v3, vm0, $0xb8;
	[tilespmem:$0x1E100] =	vst v63  }
0x150: {  	_ =	swait.ge [sflag:s29], $0x6000  }
0x151: {  	[sflag:s29] =	ssyncset.done $0x0  }
0x152: {  	s4 =	rddreg [dreg:$0x7];
	[sflag:s29] =	ssyncadd.s32 $0xFFFFA000  }
0x153: {  	[hbm4b:s4+s3] =	stream.linear.scatter [tilespmem:s1], [sflag:$0x8], $0x6000, $0x38;
	[tilespmem:$0x1E100] =	vst v63  }
0x154: {  	_ =	swait.ge [sflag:s30], $0x6000  }
0x155: {  	[sflag:s30] =	ssyncset.done $0x0  }
0x156: {  	[sflag:s30] =	ssyncadd.s32 $0xFFFFA000  }
0x157: {  	v3 =	vld [tilespmem:$0xE0];
	_ =	sdelay $0x4  }
0x158: {  	v62 =	vshrl.u32 v3, $0x3  }
0x159: {  	v4 =	vmul.u32 $0x30, v62  }
0x15a: {  	v3 =	vand.u32 $0x7, v3  }
0x15b: {  	v3 =	vor.u32 v3, v4  }
0x15c: {  	v4 =	vperm.xlane v3, v0;
	_ =	sdelay $0x1  }
0x15d: {  	v4 =	vadd.s32 v1, v4;
	_ =	sdelay $0x3  }
0x15e: {  	v3 =	vperm.xlane v3, v2  }
0x15f: {  	[tilespmem:s1], [sflag:$0x3] =	stream.indirect_vreg.gather [hbm4b:s2+s3], $0x80, v4, vm0, $0xb8;
	[tilespmem:$0x1E100] =	vst v63  }
0x160: {  	s13 =	simm.s32 $0xC900;
	v3 =	vadd.s32 v1, v3  }
0x161: {  	[tilespmem:s13], [sflag:$0x3] =	stream.indirect_vreg.gather [hbm4b:s5+s3], $0x80, v4, vm0, $0xb8;
	[tilespmem:$0x1E100] =	vst v63  }
0x162: {  	s14 =	simm.s32 $0xD100  }
0x163: {  	[tilespmem:s14], [sflag:$0x3] =	stream.indirect_vreg.gather [hbm4b:s6+s3], $0x80, v4, vm0, $0xb8;
	[tilespmem:$0x1E100] =	vst v63  }
0x164: {  	s12 =	simm.s32 $0xD900  }
0x165: {  	[tilespmem:s12], [sflag:$0x3] =	stream.indirect_vreg.gather [hbm4b:s2+s3], $0x80, v3, vm0, $0xb8;
	[tilespmem:$0x1E100] =	vst v63  }
0x166: {  	s13 =	simm.s32 $0xE100  }
0x167: {  	[tilespmem:s13], [sflag:$0x3] =	stream.indirect_vreg.gather [hbm4b:s5+s3], $0x80, v3, vm0, $0xb8;
	[tilespmem:$0x1E100] =	vst v63  }
0x168: {  	s14 =	simm.s32 $0xE900  }
0x169: {  	[tilespmem:s14], [sflag:$0x3] =	stream.indirect_vreg.gather [hbm4b:s6+s3], $0x80, v3, vm0, $0xb8;
	[tilespmem:$0x1E100] =	vst v63  }
0x16a: {  	v3 =	vld [tilespmem:$0xF0];
	_ =	sdelay $0x4  }
0x16b: {  	v63 =	vshrl.u32 v3, $0x3  }
0x16c: {  	v4 =	vmul.u32 $0x30, v63  }
0x16d: {  	v3 =	vand.u32 $0x7, v3  }
0x16e: {  	v3 =	vor.u32 v3, v4  }
0x16f: {  	v4 =	vperm.xlane v3, v0;
	_ =	sdelay $0x1  }
0x170: {  	v4 =	vadd.s32 v1, v4;
	_ =	sdelay $0x3  }
0x171: {  	s12 =	simm.s32 $0xF100;
	v3 =	vperm.xlane v3, v2  }
0x172: {  	[tilespmem:s12], [sflag:$0x3] =	stream.indirect_vreg.gather [hbm4b:s2+s3], $0x80, v4, vm0, $0xb8;
	[tilespmem:$0x1E100] =	vst v63  }
0x173: {  	s13 =	simm.s32 $0xF900;
	v3 =	vadd.s32 v1, v3  }
0x174: {  	[tilespmem:s13], [sflag:$0x3] =	stream.indirect_vreg.gather [hbm4b:s5+s3], $0x80, v4, vm0, $0xb8;
	[tilespmem:$0x1E100] =	vst v63  }
0x175: {  	s14 =	simm.s32 $0x10100  }
0x176: {  	[tilespmem:s14], [sflag:$0x3] =	stream.indirect_vreg.gather [hbm4b:s6+s3], $0x80, v4, vm0, $0xb8;
	[tilespmem:$0x1E100] =	vst v63  }
0x177: {  	s12 =	simm.s32 $0x10900  }
0x178: {  	[tilespmem:s12], [sflag:$0x3] =	stream.indirect_vreg.gather [hbm4b:s2+s3], $0x80, v3, vm0, $0xb8;
	[tilespmem:$0x1E100] =	vst v63  }
0x179: {  	s13 =	simm.s32 $0x11100  }
0x17a: {  	[tilespmem:s13], [sflag:$0x3] =	stream.indirect_vreg.gather [hbm4b:s5+s3], $0x80, v3, vm0, $0xb8;
	[tilespmem:$0x1E100] =	vst v63  }
0x17b: {  	s14 =	simm.s32 $0x11900;
	s12 =	simm.s32 $0x4  }
0x17c: {  	[tilespmem:s14], [sflag:$0x3] =	stream.indirect_vreg.gather [hbm4b:s6+s3], $0x80, v3, vm0, $0xb8;
	[tilespmem:$0x1E100] =	vst v63  }
0x17d: {  	_ =	swait.ge [sflag:s12], $0x6000  }
0x17e: {  	s14 =	simm.s32 $0x12100;
	[sflag:s12] =	ssyncset.done $0x0  }
0x17f: {  	s13 =	rddreg [dreg:$0x8];
	[sflag:s12] =	ssyncadd.s32 $0xFFFFA000;
	s12 =	simm.s32 $0x5  }
0x180: {  	[hbm4b:s13+s3] =	stream.linear.scatter [tilespmem:s14], [sflag:$0x9], $0x6000, $0x38;
	[tilespmem:$0x1E100] =	vst v63  }
0x181: {  	_ =	swait.ge [sflag:s12], $0x6000  }
0x182: {  	[sflag:s12] =	ssyncset.done $0x0  }
0x183: {  	s13 =	rddreg [dreg:$0x9];
	[sflag:s12] =	ssyncadd.s32 $0xFFFFA000  }
0x184: {  	[hbm4b:s13+s3] =	stream.linear.scatter [tilespmem:s0], [sflag:$0xA], $0x6000, $0x38;
	[tilespmem:$0x1E100] =	vst v63  }
0x185: {  	_ =	swait.ge [sflag:s24], $0x6000  }
0x186: {  	[sflag:s24] =	ssyncset.done $0x0  }
0x187: {  	s14 =	rddreg [dreg:$0xa];
	[sflag:s24] =	ssyncadd.s32 $0xFFFFA000  }
0x188: {  	[hbm4b:s14+s3] =	stream.linear.scatter [tilespmem:s21], [sflag:$0x6], $0x6000, $0x38;
	[tilespmem:$0x1E100] =	vst v63  }
0x189: {  	_ =	swait.ge [sflag:s26], $0x6000  }
0x18a: {  	[sflag:s26] =	ssyncset.done $0x0  }
0x18b: {  	s0 =	rddreg [dreg:$0xb];
	[sflag:s26] =	ssyncadd.s32 $0xFFFFA000  }
0x18c: {  	[hbm4b:s0+s3] =	stream.linear.scatter [tilespmem:s10], [sflag:$0x7], $0x6000, $0x38;
	[tilespmem:$0x1E100] =	vst v63  }
0x18d: {  	_ =	swait.ge [sflag:s29], $0x6000  }
0x18e: {  	[sflag:s29] =	ssyncset.done $0x0  }
0x18f: {  	s13 =	simm.s32 $0x9;
	s4 =	rddreg [dreg:$0xc];
	[sflag:s29] =	ssyncadd.s32 $0xFFFFA000  }
0x190: {  	[hbm4b:s4+s3] =	stream.linear.scatter [tilespmem:s1], [sflag:$0x8], $0x6000, $0x38;
	[tilespmem:$0x1E100] =	vst v63  }
0x191: {  	_ =	swait.ge [sflag:s13], $0x6000  }
0x192: {  	[sflag:s13] =	ssyncset.done $0x0  }
0x193: {  	s14 =	simm.s32 $0xA;
	[sflag:s13] =	ssyncadd.s32 $0xFFFFA000  }
0x194: {  	_ =	swait.ge [sflag:s14], $0x6000  }
0x195: {  	[sflag:s14] =	ssyncset.done $0x0  }
0x196: {  	[sflag:s14] =	ssyncadd.s32 $0xFFFFA000  }
0x197: {  	_ =	swait.ge [sflag:s25], $0x6000  }
0x198: {  	[sflag:s25] =	ssyncset.done $0x0  }
0x199: {  	[sflag:s25] =	ssyncadd.s32 $0xFFFFA000  }
0x19a: {  	p0 =	sne.s32 s7, $0x1;
	_ =	swait.ge [sflag:s28], $0x6000  }
.Ltmp0:
0x19b: {  	[sflag:s28] =	ssyncset.done $0x0;
	(pc) =	sbr.rel @p0 .LBB2_1-.Ltmp0, $4  }
0x19c: {  	[sflag:s28] =	ssyncadd.s32 $0xFFFFA000  }
0x19d: {  	_ =	swait.ge [sflag:s30], $0x6000  }
0x19e: {  	[sflag:s30] =	ssyncset.done $0x0  }
0x19f: {  	s7 =	sadd.s32 $0xFFFFFFFF, s7;
	[sflag:s30] =	ssyncadd.s32 $0xFFFFA000  }
0x1a0: {  	_ =	sfence.sel $0x180000  }
0x1a1: {  	[bflag:$0x0] =	sbarrier.arrive $0xFFFF  }
0x1a2: {  	_ =	strace $0x90000047  }
0x1a3: {  	s0 =	stileid.u32;
	[bflag:$0x2] =	sbarrier.arrive $0xFFFF  }
0x1a4: {  	p0 =	sne.s32 s0, $0x0;
	s0 =	rddreg [dreg:$0x3]  }
0x1a5: {  	s0 =	sadd.s32 @!p0 $0x100000, s0  }
0x1a6: {  	[sflag:s0] =	ssyncadd.tile.s32 @!p0 $0x1;
	_ =	shalt  }
.Lfunc_end2:
_tile_overlayer_lowered:
.L_overlay_start_2:
0x1a7: {  	(tag) =	ssettag $0x2  }
0x1a8: {  	s0 =	rddreg [dreg:$0x0];
	s2 =	stileid.u32  }
0x1a9: {  	s1 =	rddreg [dreg:$0x1];
	p0 =	sne.s32 s2, $0x0  }
0x1aa: {  	s3 =	rddreg [dreg:$0x2];
	[bflag:$0x3] =	sbarrier.arrive $0xFFFF;
	s2 =	simm.s32 @!p0 $0x1C0B  }
0x1ab: {  	[timem:s3], [sflag:s2] =	dma.local @!p0 [hbm:s0], s1  }
0x1ac: {  	s0 =	simm.s32 @!p0 $0xB  }
0x1ad: {  	_ =	swait.ge @!p0 [sflag:s0], s1  }
0x1ae: {  	s1 =	ssub.s32 @!p0 $0x0, s1;
	[sflag:s0] =	ssyncset.done @!p0 $0x0  }
0x1af: {  	[sflag:s0] =	ssyncadd.s32 @!p0 s1  }
0x1b0: {  	[bflag:$0x3] =	sbarrier.arrive $0xFFFF  }
0x1b1: {  	_ =	shalt  }

</sc_bundles>
